<compile_context>
chip_gen: v7x
topology: tpu7x:2x2x1
jax: 0.10.2.dev20260603
libtpu: 0.0.44.dev20260713+nightly
codegen_flags: <defaults>
</compile_context>

<pallas_src>
import functools

import jax
import jax.numpy as jnp
from jax import lax
from jax.experimental import pallas as pl
from jax.experimental.pallas import tpu as pltpu
from jax.experimental.pallas import tpu_sc as plsc

N = 10000
E = 320000
D_IN = 128
D_HID = 128
D_OUT = 64
NPAD = 10240
NROW = 80

_NSC = 2
_NTILE = 16
_EDGES_PER_SC = E // _NSC
_EDGES_PER_TILE = _EDGES_PER_SC // _NTILE
_K = 80
_NCHUNK = _EDGES_PER_TILE // _K
_ROWS_PER_TILE = NPAD // _NTILE

_BR = 128
_NBLK = (N + _BR - 1) // _BR


@functools.lru_cache(maxsize=None)
def _make_segsum():
    mesh = plsc.VectorSubcoreMesh(core_axis_name="c", subcore_axis_name="s")

    @functools.partial(
        pl.kernel,
        out_type=jax.ShapeDtypeStruct((_NSC, NPAD, 128), jnp.float32),
        mesh=mesh,
        scratch_types=[
            pltpu.VMEM((_K,), jnp.int32),
            pltpu.VMEM((_K,), jnp.int32),
            pltpu.VMEM((_K, 128), jnp.float32),
            pltpu.VMEM((_K,), jnp.int32),
            pltpu.VMEM((_K,), jnp.int32),
            pltpu.VMEM((_K, 128), jnp.float32),
            pltpu.VMEM((_K,), jnp.int32),
            pltpu.VMEM((_K,), jnp.int32),
            pltpu.VMEM((_K, 128), jnp.float32),
            pltpu.VMEM_SHARED((NPAD, 128), jnp.float32),
        ] + [pltpu.SemaphoreType.DMA] * 6,
    )
    def seg(p_hbm, src_hbm, dst_hbm, zero_hbm, out_hbm,
            src_a, dst_a, rows_a, src_b, dst_b, rows_b,
            src_c, dst_c, rows_c, acc_sh,
            sem_ia, sem_ib, sem_ic, sem_ga, sem_gb, sem_gc):
        c = lax.axis_index("c")
        s = lax.axis_index("s")
        r0 = s * _ROWS_PER_TILE

        pltpu.sync_copy(zero_hbm.at[pl.ds(r0, _ROWS_PER_TILE)],
                        acc_sh.at[pl.ds(r0, _ROWS_PER_TILE)])

        base0 = c * _EDGES_PER_SC + s * _EDGES_PER_TILE
        srcs = (src_a, src_b, src_c)
        dsts = (dst_a, dst_b, dst_c)
        rows = (rows_a, rows_b, rows_c)
        sem_i = (sem_ia, sem_ib, sem_ic)
        sem_g = (sem_ga, sem_gb, sem_gc)

        def idx_fire(i, k):
            b = base0 + i * _K
            pltpu.async_copy(src_hbm.at[pl.ds(b, _K)], srcs[k], sem_i[k])
            pltpu.async_copy(dst_hbm.at[pl.ds(b, _K)], dsts[k], sem_i[k])

        def idx_wait(i, k):
            b = base0 + i * _K
            pltpu.make_async_copy(src_hbm.at[pl.ds(b, _K)], srcs[k],
                                  sem_i[k]).wait()
            pltpu.make_async_copy(dst_hbm.at[pl.ds(b, _K)], dsts[k],
                                  sem_i[k]).wait()

        def gather_fire(k):
            pltpu.async_copy(p_hbm.at[srcs[k]], rows[k], sem_g[k])

        def gather_wait(k):
            pltpu.make_async_copy(p_hbm.at[srcs[k]], rows[k],
                                  sem_g[k]).wait()

        def scatter(k):
            pltpu.sync_copy(rows[k], acc_sh.at[dsts[k]], add=True)

        idx_fire(0, 0)
        idx_fire(1, 1)
        idx_wait(0, 0)
        gather_fire(0)
        idx_wait(1, 1)
        gather_fire(1)
        idx_fire(2, 2)
        plsc.subcore_barrier()

        def body(t, carry):
            for u in range(3):
                g = 3 * t + u
                this, prev = u, (u + 2) % 3
                idx_wait(g + 2, prev)
                gather_fire(prev)
                gather_wait(this)
                scatter(this)

                @pl.when(g + 3 < _NCHUNK)
                def _(g=g, this=this):
                    idx_fire(g + 3, this)
            return carry

        lax.fori_loop(0, (_NCHUNK - 2) // 3, body, 0)
        gather_wait(0)
        scatter(0)
        gather_wait(1)
        scatter(1)
        plsc.subcore_barrier()
        pltpu.sync_copy(acc_sh.at[pl.ds(r0, _ROWS_PER_TILE)],
                        out_hbm.at[c, pl.ds(r0, _ROWS_PER_TILE)])

    return seg


_HCH = 8000
_NHBLK = E // _HCH


def _hist_body(d_ref, out_ref):
    i = pl.program_id(0)
    d = d_ref[...]
    lane = lax.broadcasted_iota(jnp.int32, (1, 128), 1)
    ohh = (lax.shift_right_logical(d, 7) == lane).astype(jnp.bfloat16)
    ohl = (lax.bitwise_and(d, 127) == lane).astype(jnp.bfloat16)
    g = lax.dot_general(ohh, ohl, (((0,), (0,)), ((), ())),
                        preferred_element_type=jnp.float32)

    @pl.when(i == 0)
    def _():
        out_ref[...] = g

    @pl.when(i > 0)
    def _():
        out_ref[...] += g


def _pre_body(x_ref, wl_ref, out_ref):
    out_ref[...] = jnp.dot(x_ref[...], wl_ref[...],
                           preferred_element_type=jnp.float32)


def _inv_diag(cp_ref):
    cnt = cp_ref[0, 0]
    inv = 1.0 / jnp.maximum(cnt, 1.0)
    return jnp.eye(_BR, dtype=jnp.float32) * inv[None, :]


def _mid_body(sp_ref, cp_ref, x_ref, wr_ref, b1_ref, w2l_ref, h_ref, p2_ref):
    ssum = sp_ref[0] + sp_ref[1]
    mean_w = jnp.dot(_inv_diag(cp_ref), ssum,
                     preferred_element_type=jnp.float32)
    h = mean_w + jnp.dot(x_ref[...], wr_ref[...],
                         preferred_element_type=jnp.float32) + b1_ref[...]
    h = jnp.maximum(h, 0.0)
    h_ref[...] = h
    p2 = jnp.dot(h, w2l_ref[...], preferred_element_type=jnp.float32)
    p2_ref[...] = jnp.concatenate(
        [p2, jnp.zeros((_BR, 128 - D_OUT), jnp.float32)], axis=1)


def _out_body(sp_ref, cp_ref, h_ref, w2r_ref, b2_ref, out_ref):
    ssum = sp_ref[0, :, :D_OUT] + sp_ref[1, :, :D_OUT]
    t = (jnp.dot(_inv_diag(cp_ref), ssum, preferred_element_type=jnp.float32)
         + jnp.dot(h_ref[...], w2r_ref[...], preferred_element_type=jnp.float32)
         + b2_ref[...])
    m = jnp.max(t, axis=1, keepdims=True)
    lse = m + jnp.log(jnp.sum(jnp.exp(t - m), axis=1, keepdims=True))
    out_ref[...] = t - lse


def _segsum(p, src, dst, zeros):
    return _make_segsum()(p, src, dst, zeros)


def kernel(x, edge_index, W1_l, W1_r, b1, W2_l, W2_r, b2):
    src = edge_index[0]
    dst = edge_index[1]

    b1r = b1.reshape(1, D_HID)
    b2r = b2.reshape(1, D_OUT)
    zeros = jnp.zeros((NPAD, 128), jnp.float32)

    p1 = pl.pallas_call(
        _pre_body,
        grid=(_NBLK,),
        in_specs=[pl.BlockSpec((_BR, D_IN), lambda i: (i, 0)),
                  pl.BlockSpec((D_IN, D_HID), lambda i: (0, 0))],
        out_specs=pl.BlockSpec((_BR, D_HID), lambda i: (i, 0)),
        out_shape=jax.ShapeDtypeStruct((N, D_HID), jnp.float32),
    )(x, W1_l)

    s1p = _segsum(p1, src, dst, zeros)

    cntg = pl.pallas_call(
        _hist_body,
        grid=(_NHBLK,),
        in_specs=[pl.BlockSpec((_HCH, 1), lambda i: (i, 0))],
        out_specs=pl.BlockSpec((128, 128), lambda i: (0, 0)),
        out_shape=jax.ShapeDtypeStruct((128, 128), jnp.float32),
    )(dst.reshape(E, 1))
    cnt4 = cntg.reshape(128, 1, 128)


    h, p2 = pl.pallas_call(
        _mid_body,
        grid=(_NBLK,),
        in_specs=[pl.BlockSpec((_NSC, _BR, 128), lambda i: (0, i, 0)),
                  pl.BlockSpec((1, 1, 128), lambda i: (i, 0, 0)),
                  pl.BlockSpec((_BR, D_IN), lambda i: (i, 0)),
                  pl.BlockSpec((D_IN, D_HID), lambda i: (0, 0)),
                  pl.BlockSpec((1, D_HID), lambda i: (0, 0)),
                  pl.BlockSpec((D_HID, D_OUT), lambda i: (0, 0))],
        out_specs=[pl.BlockSpec((_BR, D_HID), lambda i: (i, 0)),
                   pl.BlockSpec((_BR, 128), lambda i: (i, 0))],
        out_shape=[jax.ShapeDtypeStruct((N, D_HID), jnp.float32),
                   jax.ShapeDtypeStruct((N, 128), jnp.float32)],
    )(s1p, cnt4, x, W1_r, b1r, W2_l)

    s2p = _segsum(p2, src, dst, zeros)

    out = pl.pallas_call(
        _out_body,
        grid=(_NBLK,),
        in_specs=[pl.BlockSpec((_NSC, _BR, 128), lambda i: (0, i, 0)),
                  pl.BlockSpec((1, 1, 128), lambda i: (i, 0, 0)),
                  pl.BlockSpec((_BR, D_HID), lambda i: (i, 0)),
                  pl.BlockSpec((D_HID, D_OUT), lambda i: (0, 0)),
                  pl.BlockSpec((1, D_OUT), lambda i: (0, 0))],
        out_specs=pl.BlockSpec((_BR, D_OUT), lambda i: (i, 0)),
        out_shape=jax.ShapeDtypeStruct((N, D_OUT), jnp.float32),
    )(s2p, cnt4, h, W2_r, b2r)
    return out

# --- scband reference (transcript-rebuilt; emitter-appended) ---
"""Pipeline reference for scband-graph-sage-4698694222361 (READ-ONLY COPY).

The authoritative reference and input builder live on the scoring server;
editing this copy changes nothing except your own understanding.
"""

import jax, jax.numpy as jnp
import numpy as np

N = 10000
E = 320000
D_IN = 128
D_HID = 128
D_OUT = 64


def _sage_conv(x, src, dst, W_l, W_r, b, num_nodes):
    # PyG SAGEConv (aggr='mean'): out = lin_l(mean_{j->i} x_j) + lin_r(x_i)
    msgs = jnp.take(x, src, axis=0)
    agg = jax.ops.segment_sum(msgs, dst, num_segments=num_nodes)
    cnt = jax.ops.segment_sum(jnp.ones((src.shape[0],), dtype=x.dtype), dst, num_segments=num_nodes)
    mean = agg / jnp.clip(cnt, 1.0, None)[:, None]
    return mean @ W_l + x @ W_r + b


def setup_inputs(seed: int = 0):
    key = jax.random.key(seed)
    ks = jax.random.split(key, 8)
    x = jax.random.normal(ks[0], (N, D_IN), dtype=jnp.float32)
    edge_index = jax.random.randint(ks[1], (2, E), 0, N, dtype=jnp.int32)
    s1 = 1.0 / np.sqrt(D_IN)
    s2 = 1.0 / np.sqrt(D_HID)
    W1_l = jax.random.normal(ks[2], (D_IN, D_HID), dtype=jnp.float32) * s1
    W1_r = jax.random.normal(ks[3], (D_IN, D_HID), dtype=jnp.float32) * s1
    b1 = jnp.zeros((D_HID,), dtype=jnp.float32)
    W2_l = jax.random.normal(ks[4], (D_HID, D_OUT), dtype=jnp.float32) * s2
    W2_r = jax.random.normal(ks[5], (D_HID, D_OUT), dtype=jnp.float32) * s2
    b2 = jnp.zeros((D_OUT,), dtype=jnp.float32)
    return {"x": x, "edge_index": edge_index, "W1_l": W1_l, "W1_r": W1_r, "b1": b1, "W2_l": W2_l, "W2_r": W2_r, "b2": b2}


def reference(x, edge_index, W1_l, W1_r, b1, W2_l, W2_r, b2):
    src = edge_index[0]
    dst = edge_index[1]
    h = _sage_conv(x, src, dst, W1_l, W1_r, b1, N)
    h = jax.nn.relu(h)
    # dropout is identity in eval mode (training=False)
    out = _sage_conv(h, src, dst, W2_l, W2_r, b2, N)
    return jax.nn.log_softmax(out, axis=1)

if __name__ == "__main__":
    import jax
    _d = setup_inputs()
    print(jax.jit(kernel)(*tuple(_d.values())))

</pallas_src>

<mosaic_0001>
#map = affine_map<(d0, d1) -> (0, 0)>
#map1 = affine_map<(d0, d1) -> (0)>
#map2 = affine_map<(d0, d1) -> (0, 0, 0)>
module attributes {stable_mosaic.version = 14 : i64} {
  func.func @seg(%arg0: i32, %arg1: i32, %arg2: memref<10000x128xf32, #tpu.memory_space<hbm>>, %arg3: memref<320000xi32, #tpu.memory_space<hbm>>, %arg4: memref<320000xi32, #tpu.memory_space<hbm>>, %arg5: memref<10240x128xf32, #tpu.memory_space<hbm>>, %arg6: memref<2x10240x128xf32, #tpu.memory_space<hbm>>, %arg7: memref<80xi32, #tpu.memory_space<vmem>>, %arg8: memref<80xi32, #tpu.memory_space<vmem>>, %arg9: memref<80x128xf32, #tpu.memory_space<vmem>>, %arg10: memref<80xi32, #tpu.memory_space<vmem>>, %arg11: memref<80xi32, #tpu.memory_space<vmem>>, %arg12: memref<80x128xf32, #tpu.memory_space<vmem>>, %arg13: memref<80xi32, #tpu.memory_space<vmem>>, %arg14: memref<80xi32, #tpu.memory_space<vmem>>, %arg15: memref<80x128xf32, #tpu.memory_space<vmem>>, %arg16: memref<10240x128xf32, #tpu.memory_space<vmem_shared>>, %arg17: memref<!tpu.dma_semaphore, #tpu.memory_space<semaphore_mem>>, %arg18: memref<!tpu.dma_semaphore, #tpu.memory_space<semaphore_mem>>, %arg19: memref<!tpu.dma_semaphore, #tpu.memory_space<semaphore_mem>>, %arg20: memref<!tpu.dma_semaphore, #tpu.memory_space<semaphore_mem>>, %arg21: memref<!tpu.dma_semaphore, #tpu.memory_space<semaphore_mem>>, %arg22: memref<!tpu.dma_semaphore, #tpu.memory_space<semaphore_mem>>) attributes {dimension_semantics = [#tpu.dimension_semantics<core_parallel>, #tpu.dimension_semantics<subcore_parallel>], iteration_bounds = array<i64: 2, 16>, scalar_prefetch = 0 : i64, scratch_operands = 16 : i64, tpu.core_type = #tpu.core_type<sc_vector_subcore>, window_params = [{transform_indices = #map}, {transform_indices = #map1}, {transform_indices = #map1}, {transform_indices = #map}, {transform_indices = #map2}]} {
    %mul3A = arith.constant 640 : i32
    %mul3A_0 = arith.muli %arg1, %mul3A : i32
    "tpu.region"() ({
      %run_scoped3A = tpu.sem_alloc : memref<!tpu.dma_semaphore, #tpu.memory_space<semaphore_mem>>
      %dma_start3A_51 = arith.constant 0 : i32
      %dma_start3A_52 = tpu.memref_slice %arg16[%mul3A_0, %dma_start3A_51] : memref<10240x128xf32, #tpu.memory_space<vmem_shared>> -> memref<640x128xf32, #tpu.memory_space<vmem_shared>>
      %dma_start3A_53 = arith.constant 0 : i32
      %dma_start3A_54 = tpu.memref_slice %arg5[%mul3A_0, %dma_start3A_53] : memref<10240x128xf32, #tpu.memory_space<hbm>> -> memref<640x128xf32, #tpu.memory_space<hbm>>
      tpu.enqueue_dma source(%dma_start3A_54 : memref<640x128xf32, #tpu.memory_space<hbm>>) target(%dma_start3A_52 : memref<640x128xf32, #tpu.memory_space<vmem_shared>>) target_semaphore(%run_scoped3A : memref<!tpu.dma_semaphore, #tpu.memory_space<semaphore_mem>>)
      %dma_wait3A_55 = arith.constant 0 : i32
      %dma_wait3A_56 = tpu.memref_slice %arg16[%mul3A_0, %dma_wait3A_55] : memref<10240x128xf32, #tpu.memory_space<vmem_shared>> -> memref<640x128xf32, #tpu.memory_space<vmem_shared>>
      %dma_wait3A_57 = arith.constant 0 : i32
      %dma_wait3A_58 = tpu.memref_slice %arg5[%mul3A_0, %dma_wait3A_57] : memref<10240x128xf32, #tpu.memory_space<hbm>> -> memref<640x128xf32, #tpu.memory_space<hbm>>
      tpu.wait_dma2 semaphore(%run_scoped3A : memref<!tpu.dma_semaphore, #tpu.memory_space<semaphore_mem>>) src(%dma_wait3A_58 : memref<640x128xf32, #tpu.memory_space<hbm>>) dst(%dma_wait3A_56 : memref<640x128xf32, #tpu.memory_space<vmem_shared>>)
      tpu.yield
    }) : () -> ()
    %mul3A_1 = arith.constant 160000 : i32
    %mul3A_2 = arith.muli %arg0, %mul3A_1 : i32
    %mul3A_3 = arith.constant 10000 : i32
    %mul3A_4 = arith.muli %arg1, %mul3A_3 : i32
    %add3A = arith.addi %mul3A_2, %mul3A_4 : i32
    %add3A_5 = arith.constant 0 : i32
    %add3A_6 = arith.addi %add3A, %add3A_5 : i32
    %dma_start3A = tpu.memref_slice %arg3[%add3A_6] : memref<320000xi32, #tpu.memory_space<hbm>> -> memref<80xi32, #tpu.memory_space<hbm>>
    %dma_start3A_7 = tpu.memref_slice %arg3[%add3A_6] : memref<320000xi32, #tpu.memory_space<hbm>> -> memref<80xi32, #tpu.memory_space<hbm>>
    tpu.enqueue_dma source(%dma_start3A_7 : memref<80xi32, #tpu.memory_space<hbm>>) target(%arg7 : memref<80xi32, #tpu.memory_space<vmem>>) target_semaphore(%arg17 : memref<!tpu.dma_semaphore, #tpu.memory_space<semaphore_mem>>)
    %dma_start3A_8 = tpu.memref_slice %arg4[%add3A_6] : memref<320000xi32, #tpu.memory_space<hbm>> -> memref<80xi32, #tpu.memory_space<hbm>>
    %dma_start3A_9 = tpu.memref_slice %arg4[%add3A_6] : memref<320000xi32, #tpu.memory_space<hbm>> -> memref<80xi32, #tpu.memory_space<hbm>>
    tpu.enqueue_dma source(%dma_start3A_9 : memref<80xi32, #tpu.memory_space<hbm>>) target(%arg8 : memref<80xi32, #tpu.memory_space<vmem>>) target_semaphore(%arg17 : memref<!tpu.dma_semaphore, #tpu.memory_space<semaphore_mem>>)
    %add3A_10 = arith.constant 80 : i32
    %add3A_11 = arith.addi %add3A, %add3A_10 : i32
    %dma_start3A_12 = tpu.memref_slice %arg3[%add3A_11] : memref<320000xi32, #tpu.memory_space<hbm>> -> memref<80xi32, #tpu.memory_space<hbm>>
    %dma_start3A_13 = tpu.memref_slice %arg3[%add3A_11] : memref<320000xi32, #tpu.memory_space<hbm>> -> memref<80xi32, #tpu.memory_space<hbm>>
    tpu.enqueue_dma source(%dma_start3A_13 : memref<80xi32, #tpu.memory_space<hbm>>) target(%arg10 : memref<80xi32, #tpu.memory_space<vmem>>) target_semaphore(%arg18 : memref<!tpu.dma_semaphore, #tpu.memory_space<semaphore_mem>>)
    %dma_start3A_14 = tpu.memref_slice %arg4[%add3A_11] : memref<320000xi32, #tpu.memory_space<hbm>> -> memref<80xi32, #tpu.memory_space<hbm>>
    %dma_start3A_15 = tpu.memref_slice %arg4[%add3A_11] : memref<320000xi32, #tpu.memory_space<hbm>> -> memref<80xi32, #tpu.memory_space<hbm>>
    tpu.enqueue_dma source(%dma_start3A_15 : memref<80xi32, #tpu.memory_space<hbm>>) target(%arg11 : memref<80xi32, #tpu.memory_space<vmem>>) target_semaphore(%arg18 : memref<!tpu.dma_semaphore, #tpu.memory_space<semaphore_mem>>)
    %add3A_16 = arith.constant 0 : i32
    %add3A_17 = arith.addi %add3A, %add3A_16 : i32
    %dma_wait3A = tpu.memref_slice %arg3[%add3A_17] : memref<320000xi32, #tpu.memory_space<hbm>> -> memref<80xi32, #tpu.memory_space<hbm>>
    %dma_wait3A_18 = tpu.memref_slice %arg3[%add3A_17] : memref<320000xi32, #tpu.memory_space<hbm>> -> memref<80xi32, #tpu.memory_space<hbm>>
    tpu.wait_dma2 semaphore(%arg17 : memref<!tpu.dma_semaphore, #tpu.memory_space<semaphore_mem>>) src(%dma_wait3A_18 : memref<80xi32, #tpu.memory_space<hbm>>) dst(%arg7 : memref<80xi32, #tpu.memory_space<vmem>>)
    %dma_wait3A_19 = tpu.memref_slice %arg4[%add3A_17] : memref<320000xi32, #tpu.memory_space<hbm>> -> memref<80xi32, #tpu.memory_space<hbm>>
    %dma_wait3A_20 = tpu.memref_slice %arg4[%add3A_17] : memref<320000xi32, #tpu.memory_space<hbm>> -> memref<80xi32, #tpu.memory_space<hbm>>
    tpu.wait_dma2 semaphore(%arg17 : memref<!tpu.dma_semaphore, #tpu.memory_space<semaphore_mem>>) src(%dma_wait3A_20 : memref<80xi32, #tpu.memory_space<hbm>>) dst(%arg8 : memref<80xi32, #tpu.memory_space<vmem>>)
    %dma_start3A_21 = arith.constant 0 : i32
    %dma_start3A_22 = arith.constant 0 : i32
    %dma_start3A_23 = tpu.memref_slice %arg2[%dma_start3A_21, %dma_start3A_22] : memref<10000x128xf32, #tpu.memory_space<hbm>> -> memref<10000x128xf32, #tpu.memory_space<hbm>>
    tpu.enqueue_indirect_dma source(%dma_start3A_23 : memref<10000x128xf32, #tpu.memory_space<hbm>>) target(%arg9 : memref<80x128xf32, #tpu.memory_space<vmem>>) offsets(%arg7 : memref<80xi32, #tpu.memory_space<vmem>>) semaphore(%arg20 : memref<!tpu.dma_semaphore, #tpu.memory_space<semaphore_mem>>)
    %add3A_24 = arith.constant 80 : i32
    %add3A_25 = arith.addi %add3A, %add3A_24 : i32
    %dma_wait3A_26 = tpu.memref_slice %arg3[%add3A_25] : memref<320000xi32, #tpu.memory_space<hbm>> -> memref<80xi32, #tpu.memory_space<hbm>>
    %dma_wait3A_27 = tpu.memref_slice %arg3[%add3A_25] : memref<320000xi32, #tpu.memory_space<hbm>> -> memref<80xi32, #tpu.memory_space<hbm>>
    tpu.wait_dma2 semaphore(%arg18 : memref<!tpu.dma_semaphore, #tpu.memory_space<semaphore_mem>>) src(%dma_wait3A_27 : memref<80xi32, #tpu.memory_space<hbm>>) dst(%arg10 : memref<80xi32, #tpu.memory_space<vmem>>)
    %dma_wait3A_28 = tpu.memref_slice %arg4[%add3A_25] : memref<320000xi32, #tpu.memory_space<hbm>> -> memref<80xi32, #tpu.memory_space<hbm>>
    %dma_wait3A_29 = tpu.memref_slice %arg4[%add3A_25] : memref<320000xi32, #tpu.memory_space<hbm>> -> memref<80xi32, #tpu.memory_space<hbm>>
    tpu.wait_dma2 semaphore(%arg18 : memref<!tpu.dma_semaphore, #tpu.memory_space<semaphore_mem>>) src(%dma_wait3A_29 : memref<80xi32, #tpu.memory_space<hbm>>) dst(%arg11 : memref<80xi32, #tpu.memory_space<vmem>>)
    %dma_start3A_30 = arith.constant 0 : i32
    %dma_start3A_31 = arith.constant 0 : i32
    %dma_start3A_32 = tpu.memref_slice %arg2[%dma_start3A_30, %dma_start3A_31] : memref<10000x128xf32, #tpu.memory_space<hbm>> -> memref<10000x128xf32, #tpu.memory_space<hbm>>
    tpu.enqueue_indirect_dma source(%dma_start3A_32 : memref<10000x128xf32, #tpu.memory_space<hbm>>) target(%arg12 : memref<80x128xf32, #tpu.memory_space<vmem>>) offsets(%arg10 : memref<80xi32, #tpu.memory_space<vmem>>) semaphore(%arg21 : memref<!tpu.dma_semaphore, #tpu.memory_space<semaphore_mem>>)
    %add3A_33 = arith.constant 160 : i32
    %add3A_34 = arith.addi %add3A, %add3A_33 : i32
    %dma_start3A_35 = tpu.memref_slice %arg3[%add3A_34] : memref<320000xi32, #tpu.memory_space<hbm>> -> memref<80xi32, #tpu.memory_space<hbm>>
    %dma_start3A_36 = tpu.memref_slice %arg3[%add3A_34] : memref<320000xi32, #tpu.memory_space<hbm>> -> memref<80xi32, #tpu.memory_space<hbm>>
    tpu.enqueue_dma source(%dma_start3A_36 : memref<80xi32, #tpu.memory_space<hbm>>) target(%arg13 : memref<80xi32, #tpu.memory_space<vmem>>) target_semaphore(%arg19 : memref<!tpu.dma_semaphore, #tpu.memory_space<semaphore_mem>>)
    %dma_start3A_37 = tpu.memref_slice %arg4[%add3A_34] : memref<320000xi32, #tpu.memory_space<hbm>> -> memref<80xi32, #tpu.memory_space<hbm>>
    %dma_start3A_38 = tpu.memref_slice %arg4[%add3A_34] : memref<320000xi32, #tpu.memory_space<hbm>> -> memref<80xi32, #tpu.memory_space<hbm>>
    tpu.enqueue_dma source(%dma_start3A_38 : memref<80xi32, #tpu.memory_space<hbm>>) target(%arg14 : memref<80xi32, #tpu.memory_space<vmem>>) target_semaphore(%arg19 : memref<!tpu.dma_semaphore, #tpu.memory_space<semaphore_mem>>)
    %barrier3A = arith.constant 0 : index
    tpu.barrier barrier_id(%barrier3A)
    %scan3A = arith.constant 0 : i32
    %scan3A_39 = arith.constant 0 : i32
    %scan3A_40 = arith.constant 41 : i32
    %scan3A_41 = arith.addi %scan3A_39, %scan3A_40 : i32
    %scan3A_42 = arith.constant 1 : i32
    scf.for %scan3A_51 = %scan3A_39 to %scan3A_41 step %scan3A_42  : i32 {
      %mul3A_52 = arith.constant 3 : i32
      %mul3A_53 = arith.muli %mul3A_52, %scan3A_51 : i32
      %add3A_54 = arith.constant 0 : i32
      %add3A_55 = arith.addi %mul3A_53, %add3A_54 : i32
      %add3A_56 = arith.constant 2 : i32
      %add3A_57 = arith.addi %add3A_55, %add3A_56 : i32
      %mul3A_58 = arith.constant 80 : i32
      %mul3A_59 = arith.muli %add3A_57, %mul3A_58 : i32
      %add3A_60 = arith.addi %add3A, %mul3A_59 : i32
      %dma_wait3A_61 = tpu.memref_slice %arg3[%add3A_60] : memref<320000xi32, #tpu.memory_space<hbm>> -> memref<80xi32, #tpu.memory_space<hbm>>
      %dma_wait3A_62 = tpu.memref_slice %arg3[%add3A_60] : memref<320000xi32, #tpu.memory_space<hbm>> -> memref<80xi32, #tpu.memory_space<hbm>>
      tpu.wait_dma2 semaphore(%arg19 : memref<!tpu.dma_semaphore, #tpu.memory_space<semaphore_mem>>) src(%dma_wait3A_62 : memref<80xi32, #tpu.memory_space<hbm>>) dst(%arg13 : memref<80xi32, #tpu.memory_space<vmem>>)
      %dma_wait3A_63 = tpu.memref_slice %arg4[%add3A_60] : memref<320000xi32, #tpu.memory_space<hbm>> -> memref<80xi32, #tpu.memory_space<hbm>>
      %dma_wait3A_64 = tpu.memref_slice %arg4[%add3A_60] : memref<320000xi32, #tpu.memory_space<hbm>> -> memref<80xi32, #tpu.memory_space<hbm>>
      tpu.wait_dma2 semaphore(%arg19 : memref<!tpu.dma_semaphore, #tpu.memory_space<semaphore_mem>>) src(%dma_wait3A_64 : memref<80xi32, #tpu.memory_space<hbm>>) dst(%arg14 : memref<80xi32, #tpu.memory_space<vmem>>)
      %dma_start3A_65 = arith.constant 0 : i32
      %dma_start3A_66 = arith.constant 0 : i32
      %dma_start3A_67 = tpu.memref_slice %arg2[%dma_start3A_65, %dma_start3A_66] : memref<10000x128xf32, #tpu.memory_space<hbm>> -> memref<10000x128xf32, #tpu.memory_space<hbm>>
      tpu.enqueue_indirect_dma source(%dma_start3A_67 : memref<10000x128xf32, #tpu.memory_space<hbm>>) target(%arg15 : memref<80x128xf32, #tpu.memory_space<vmem>>) offsets(%arg13 : memref<80xi32, #tpu.memory_space<vmem>>) semaphore(%arg22 : memref<!tpu.dma_semaphore, #tpu.memory_space<semaphore_mem>>)
      %dma_wait3A_68 = arith.constant 0 : i32
      %dma_wait3A_69 = arith.constant 0 : i32
      %dma_wait3A_70 = tpu.memref_slice %arg2[%dma_wait3A_68, %dma_wait3A_69] : memref<10000x128xf32, #tpu.memory_space<hbm>> -> memref<10000x128xf32, #tpu.memory_space<hbm>>
      tpu.wait_indirect_dma semaphore(%arg20 : memref<!tpu.dma_semaphore, #tpu.memory_space<semaphore_mem>>) src(%dma_wait3A_70 : memref<10000x128xf32, #tpu.memory_space<hbm>>) dst(%arg9 : memref<80x128xf32, #tpu.memory_space<vmem>>)
      "tpu.region"() ({
        %run_scoped3A = tpu.sem_alloc : memref<!tpu.dma_semaphore, #tpu.memory_space<semaphore_mem>>
        %dma_start3A_127 = arith.constant 0 : i32
        %dma_start3A_128 = arith.constant 0 : i32
        %dma_start3A_129 = tpu.memref_slice %arg16[%dma_start3A_127, %dma_start3A_128] : memref<10240x128xf32, #tpu.memory_space<vmem_shared>> -> memref<10240x128xf32, #tpu.memory_space<vmem_shared>>
        tpu.enqueue_indirect_dma source(%arg9 : memref<80x128xf32, #tpu.memory_space<vmem>>) target(%dma_start3A_129 : memref<10240x128xf32, #tpu.memory_space<vmem_shared>>) offsets(%arg8 : memref<80xi32, #tpu.memory_space<vmem>>) semaphore(%run_scoped3A : memref<!tpu.dma_semaphore, #tpu.memory_space<semaphore_mem>>) {add = true}
        %dma_wait3A_130 = arith.constant 0 : i32
        %dma_wait3A_131 = arith.constant 0 : i32
        %dma_wait3A_132 = tpu.memref_slice %arg16[%dma_wait3A_130, %dma_wait3A_131] : memref<10240x128xf32, #tpu.memory_space<vmem_shared>> -> memref<10240x128xf32, #tpu.memory_space<vmem_shared>>
        tpu.wait_indirect_dma semaphore(%run_scoped3A : memref<!tpu.dma_semaphore, #tpu.memory_space<semaphore_mem>>) src(%arg9 : memref<80x128xf32, #tpu.memory_space<vmem>>) dst(%dma_wait3A_132 : memref<10240x128xf32, #tpu.memory_space<vmem_shared>>)
        tpu.yield
      }) : () -> ()
      %add3A_71 = arith.constant 3 : i32
      %add3A_72 = arith.addi %add3A_55, %add3A_71 : i32
      %lt3A = arith.constant 125 : i32
      %lt3A_73 = arith.cmpi slt, %add3A_72, %lt3A : i32
      %convert_element_type3A = arith.extui %lt3A_73 : i1 to i32
      %cond3A = arith.constant 0 : i32
      %cond3A_74 = arith.cmpi ne, %convert_element_type3A, %cond3A : i32
      scf.if %cond3A_74 {
        %add3A_127 = arith.constant 3 : i32
        %add3A_128 = arith.addi %add3A_55, %add3A_127 : i32
        %mul3A_129 = arith.constant 80 : i32
        %mul3A_130 = arith.muli %add3A_128, %mul3A_129 : i32
        %add3A_131 = arith.addi %add3A, %mul3A_130 : i32
        %dma_start3A_132 = tpu.memref_slice %arg3[%add3A_131] : memref<320000xi32, #tpu.memory_space<hbm>> -> memref<80xi32, #tpu.memory_space<hbm>>
        %dma_start3A_133 = tpu.memref_slice %arg3[%add3A_131] : memref<320000xi32, #tpu.memory_space<hbm>> -> memref<80xi32, #tpu.memory_space<hbm>>
        tpu.enqueue_dma source(%dma_start3A_133 : memref<80xi32, #tpu.memory_space<hbm>>) target(%arg7 : memref<80xi32, #tpu.memory_space<vmem>>) target_semaphore(%arg17 : memref<!tpu.dma_semaphore, #tpu.memory_space<semaphore_mem>>)
        %dma_start3A_134 = tpu.memref_slice %arg4[%add3A_131] : memref<320000xi32, #tpu.memory_space<hbm>> -> memref<80xi32, #tpu.memory_space<hbm>>
        %dma_start3A_135 = tpu.memref_slice %arg4[%add3A_131] : memref<320000xi32, #tpu.memory_space<hbm>> -> memref<80xi32, #tpu.memory_space<hbm>>
        tpu.enqueue_dma source(%dma_start3A_135 : memref<80xi32, #tpu.memory_space<hbm>>) target(%arg8 : memref<80xi32, #tpu.memory_space<vmem>>) target_semaphore(%arg17 : memref<!tpu.dma_semaphore, #tpu.memory_space<semaphore_mem>>)
      } else {
      }
      %mul3A_75 = arith.constant 3 : i32
      %mul3A_76 = arith.muli %mul3A_75, %scan3A_51 : i32
      %add3A_77 = arith.constant 1 : i32
      %add3A_78 = arith.addi %mul3A_76, %add3A_77 : i32
      %add3A_79 = arith.constant 2 : i32
      %add3A_80 = arith.addi %add3A_78, %add3A_79 : i32
      %mul3A_81 = arith.constant 80 : i32
      %mul3A_82 = arith.muli %add3A_80, %mul3A_81 : i32
      %add3A_83 = arith.addi %add3A, %mul3A_82 : i32
      %dma_wait3A_84 = tpu.memref_slice %arg3[%add3A_83] : memref<320000xi32, #tpu.memory_space<hbm>> -> memref<80xi32, #tpu.memory_space<hbm>>
      %dma_wait3A_85 = tpu.memref_slice %arg3[%add3A_83] : memref<320000xi32, #tpu.memory_space<hbm>> -> memref<80xi32, #tpu.memory_space<hbm>>
      tpu.wait_dma2 semaphore(%arg17 : memref<!tpu.dma_semaphore, #tpu.memory_space<semaphore_mem>>) src(%dma_wait3A_85 : memref<80xi32, #tpu.memory_space<hbm>>) dst(%arg7 : memref<80xi32, #tpu.memory_space<vmem>>)
      %dma_wait3A_86 = tpu.memref_slice %arg4[%add3A_83] : memref<320000xi32, #tpu.memory_space<hbm>> -> memref<80xi32, #tpu.memory_space<hbm>>
      %dma_wait3A_87 = tpu.memref_slice %arg4[%add3A_83] : memref<320000xi32, #tpu.memory_space<hbm>> -> memref<80xi32, #tpu.memory_space<hbm>>
      tpu.wait_dma2 semaphore(%arg17 : memref<!tpu.dma_semaphore, #tpu.memory_space<semaphore_mem>>) src(%dma_wait3A_87 : memref<80xi32, #tpu.memory_space<hbm>>) dst(%arg8 : memref<80xi32, #tpu.memory_space<vmem>>)
      %dma_start3A_88 = arith.constant 0 : i32
      %dma_start3A_89 = arith.constant 0 : i32
      %dma_start3A_90 = tpu.memref_slice %arg2[%dma_start3A_88, %dma_start3A_89] : memref<10000x128xf32, #tpu.memory_space<hbm>> -> memref<10000x128xf32, #tpu.memory_space<hbm>>
      tpu.enqueue_indirect_dma source(%dma_start3A_90 : memref<10000x128xf32, #tpu.memory_space<hbm>>) target(%arg9 : memref<80x128xf32, #tpu.memory_space<vmem>>) offsets(%arg7 : memref<80xi32, #tpu.memory_space<vmem>>) semaphore(%arg20 : memref<!tpu.dma_semaphore, #tpu.memory_space<semaphore_mem>>)
      %dma_wait3A_91 = arith.constant 0 : i32
      %dma_wait3A_92 = arith.constant 0 : i32
      %dma_wait3A_93 = tpu.memref_slice %arg2[%dma_wait3A_91, %dma_wait3A_92] : memref<10000x128xf32, #tpu.memory_space<hbm>> -> memref<10000x128xf32, #tpu.memory_space<hbm>>
      tpu.wait_indirect_dma semaphore(%arg21 : memref<!tpu.dma_semaphore, #tpu.memory_space<semaphore_mem>>) src(%dma_wait3A_93 : memref<10000x128xf32, #tpu.memory_space<hbm>>) dst(%arg12 : memref<80x128xf32, #tpu.memory_space<vmem>>)
      "tpu.region"() ({
        %run_scoped3A = tpu.sem_alloc : memref<!tpu.dma_semaphore, #tpu.memory_space<semaphore_mem>>
        %dma_start3A_127 = arith.constant 0 : i32
        %dma_start3A_128 = arith.constant 0 : i32
        %dma_start3A_129 = tpu.memref_slice %arg16[%dma_start3A_127, %dma_start3A_128] : memref<10240x128xf32, #tpu.memory_space<vmem_shared>> -> memref<10240x128xf32, #tpu.memory_space<vmem_shared>>
        tpu.enqueue_indirect_dma source(%arg12 : memref<80x128xf32, #tpu.memory_space<vmem>>) target(%dma_start3A_129 : memref<10240x128xf32, #tpu.memory_space<vmem_shared>>) offsets(%arg11 : memref<80xi32, #tpu.memory_space<vmem>>) semaphore(%run_scoped3A : memref<!tpu.dma_semaphore, #tpu.memory_space<semaphore_mem>>) {add = true}
        %dma_wait3A_130 = arith.constant 0 : i32
        %dma_wait3A_131 = arith.constant 0 : i32
        %dma_wait3A_132 = tpu.memref_slice %arg16[%dma_wait3A_130, %dma_wait3A_131] : memref<10240x128xf32, #tpu.memory_space<vmem_shared>> -> memref<10240x128xf32, #tpu.memory_space<vmem_shared>>
        tpu.wait_indirect_dma semaphore(%run_scoped3A : memref<!tpu.dma_semaphore, #tpu.memory_space<semaphore_mem>>) src(%arg12 : memref<80x128xf32, #tpu.memory_space<vmem>>) dst(%dma_wait3A_132 : memref<10240x128xf32, #tpu.memory_space<vmem_shared>>)
        tpu.yield
      }) : () -> ()
      %add3A_94 = arith.constant 3 : i32
      %add3A_95 = arith.addi %add3A_78, %add3A_94 : i32
      %lt3A_96 = arith.constant 125 : i32
      %lt3A_97 = arith.cmpi slt, %add3A_95, %lt3A_96 : i32
      %convert_element_type3A_98 = arith.extui %lt3A_97 : i1 to i32
      %cond3A_99 = arith.constant 0 : i32
      %cond3A_100 = arith.cmpi ne, %convert_element_type3A_98, %cond3A_99 : i32
      scf.if %cond3A_100 {
        %add3A_127 = arith.constant 3 : i32
        %add3A_128 = arith.addi %add3A_78, %add3A_127 : i32
        %mul3A_129 = arith.constant 80 : i32
        %mul3A_130 = arith.muli %add3A_128, %mul3A_129 : i32
        %add3A_131 = arith.addi %add3A, %mul3A_130 : i32
        %dma_start3A_132 = tpu.memref_slice %arg3[%add3A_131] : memref<320000xi32, #tpu.memory_space<hbm>> -> memref<80xi32, #tpu.memory_space<hbm>>
        %dma_start3A_133 = tpu.memref_slice %arg3[%add3A_131] : memref<320000xi32, #tpu.memory_space<hbm>> -> memref<80xi32, #tpu.memory_space<hbm>>
        tpu.enqueue_dma source(%dma_start3A_133 : memref<80xi32, #tpu.memory_space<hbm>>) target(%arg10 : memref<80xi32, #tpu.memory_space<vmem>>) target_semaphore(%arg18 : memref<!tpu.dma_semaphore, #tpu.memory_space<semaphore_mem>>)
        %dma_start3A_134 = tpu.memref_slice %arg4[%add3A_131] : memref<320000xi32, #tpu.memory_space<hbm>> -> memref<80xi32, #tpu.memory_space<hbm>>
        %dma_start3A_135 = tpu.memref_slice %arg4[%add3A_131] : memref<320000xi32, #tpu.memory_space<hbm>> -> memref<80xi32, #tpu.memory_space<hbm>>
        tpu.enqueue_dma source(%dma_start3A_135 : memref<80xi32, #tpu.memory_space<hbm>>) target(%arg11 : memref<80xi32, #tpu.memory_space<vmem>>) target_semaphore(%arg18 : memref<!tpu.dma_semaphore, #tpu.memory_space<semaphore_mem>>)
      } else {
      }
      %mul3A_101 = arith.constant 3 : i32
      %mul3A_102 = arith.muli %mul3A_101, %scan3A_51 : i32
      %add3A_103 = arith.constant 2 : i32
      %add3A_104 = arith.addi %mul3A_102, %add3A_103 : i32
      %add3A_105 = arith.constant 2 : i32
      %add3A_106 = arith.addi %add3A_104, %add3A_105 : i32
      %mul3A_107 = arith.constant 80 : i32
      %mul3A_108 = arith.muli %add3A_106, %mul3A_107 : i32
      %add3A_109 = arith.addi %add3A, %mul3A_108 : i32
      %dma_wait3A_110 = tpu.memref_slice %arg3[%add3A_109] : memref<320000xi32, #tpu.memory_space<hbm>> -> memref<80xi32, #tpu.memory_space<hbm>>
      %dma_wait3A_111 = tpu.memref_slice %arg3[%add3A_109] : memref<320000xi32, #tpu.memory_space<hbm>> -> memref<80xi32, #tpu.memory_space<hbm>>
      tpu.wait_dma2 semaphore(%arg18 : memref<!tpu.dma_semaphore, #tpu.memory_space<semaphore_mem>>) src(%dma_wait3A_111 : memref<80xi32, #tpu.memory_space<hbm>>) dst(%arg10 : memref<80xi32, #tpu.memory_space<vmem>>)
      %dma_wait3A_112 = tpu.memref_slice %arg4[%add3A_109] : memref<320000xi32, #tpu.memory_space<hbm>> -> memref<80xi32, #tpu.memory_space<hbm>>
      %dma_wait3A_113 = tpu.memref_slice %arg4[%add3A_109] : memref<320000xi32, #tpu.memory_space<hbm>> -> memref<80xi32, #tpu.memory_space<hbm>>
      tpu.wait_dma2 semaphore(%arg18 : memref<!tpu.dma_semaphore, #tpu.memory_space<semaphore_mem>>) src(%dma_wait3A_113 : memref<80xi32, #tpu.memory_space<hbm>>) dst(%arg11 : memref<80xi32, #tpu.memory_space<vmem>>)
      %dma_start3A_114 = arith.constant 0 : i32
      %dma_start3A_115 = arith.constant 0 : i32
      %dma_start3A_116 = tpu.memref_slice %arg2[%dma_start3A_114, %dma_start3A_115] : memref<10000x128xf32, #tpu.memory_space<hbm>> -> memref<10000x128xf32, #tpu.memory_space<hbm>>
      tpu.enqueue_indirect_dma source(%dma_start3A_116 : memref<10000x128xf32, #tpu.memory_space<hbm>>) target(%arg12 : memref<80x128xf32, #tpu.memory_space<vmem>>) offsets(%arg10 : memref<80xi32, #tpu.memory_space<vmem>>) semaphore(%arg21 : memref<!tpu.dma_semaphore, #tpu.memory_space<semaphore_mem>>)
      %dma_wait3A_117 = arith.constant 0 : i32
      %dma_wait3A_118 = arith.constant 0 : i32
      %dma_wait3A_119 = tpu.memref_slice %arg2[%dma_wait3A_117, %dma_wait3A_118] : memref<10000x128xf32, #tpu.memory_space<hbm>> -> memref<10000x128xf32, #tpu.memory_space<hbm>>
      tpu.wait_indirect_dma semaphore(%arg22 : memref<!tpu.dma_semaphore, #tpu.memory_space<semaphore_mem>>) src(%dma_wait3A_119 : memref<10000x128xf32, #tpu.memory_space<hbm>>) dst(%arg15 : memref<80x128xf32, #tpu.memory_space<vmem>>)
      "tpu.region"() ({
        %run_scoped3A = tpu.sem_alloc : memref<!tpu.dma_semaphore, #tpu.memory_space<semaphore_mem>>
        %dma_start3A_127 = arith.constant 0 : i32
        %dma_start3A_128 = arith.constant 0 : i32
        %dma_start3A_129 = tpu.memref_slice %arg16[%dma_start3A_127, %dma_start3A_128] : memref<10240x128xf32, #tpu.memory_space<vmem_shared>> -> memref<10240x128xf32, #tpu.memory_space<vmem_shared>>
        tpu.enqueue_indirect_dma source(%arg15 : memref<80x128xf32, #tpu.memory_space<vmem>>) target(%dma_start3A_129 : memref<10240x128xf32, #tpu.memory_space<vmem_shared>>) offsets(%arg14 : memref<80xi32, #tpu.memory_space<vmem>>) semaphore(%run_scoped3A : memref<!tpu.dma_semaphore, #tpu.memory_space<semaphore_mem>>) {add = true}
        %dma_wait3A_130 = arith.constant 0 : i32
        %dma_wait3A_131 = arith.constant 0 : i32
        %dma_wait3A_132 = tpu.memref_slice %arg16[%dma_wait3A_130, %dma_wait3A_131] : memref<10240x128xf32, #tpu.memory_space<vmem_shared>> -> memref<10240x128xf32, #tpu.memory_space<vmem_shared>>
        tpu.wait_indirect_dma semaphore(%run_scoped3A : memref<!tpu.dma_semaphore, #tpu.memory_space<semaphore_mem>>) src(%arg15 : memref<80x128xf32, #tpu.memory_space<vmem>>) dst(%dma_wait3A_132 : memref<10240x128xf32, #tpu.memory_space<vmem_shared>>)
        tpu.yield
      }) : () -> ()
      %add3A_120 = arith.constant 3 : i32
      %add3A_121 = arith.addi %add3A_104, %add3A_120 : i32
      %lt3A_122 = arith.constant 125 : i32
      %lt3A_123 = arith.cmpi slt, %add3A_121, %lt3A_122 : i32
      %convert_element_type3A_124 = arith.extui %lt3A_123 : i1 to i32
      %cond3A_125 = arith.constant 0 : i32
      %cond3A_126 = arith.cmpi ne, %convert_element_type3A_124, %cond3A_125 : i32
      scf.if %cond3A_126 {
        %add3A_127 = arith.constant 3 : i32
        %add3A_128 = arith.addi %add3A_104, %add3A_127 : i32
        %mul3A_129 = arith.constant 80 : i32
        %mul3A_130 = arith.muli %add3A_128, %mul3A_129 : i32
        %add3A_131 = arith.addi %add3A, %mul3A_130 : i32
        %dma_start3A_132 = tpu.memref_slice %arg3[%add3A_131] : memref<320000xi32, #tpu.memory_space<hbm>> -> memref<80xi32, #tpu.memory_space<hbm>>
        %dma_start3A_133 = tpu.memref_slice %arg3[%add3A_131] : memref<320000xi32, #tpu.memory_space<hbm>> -> memref<80xi32, #tpu.memory_space<hbm>>
        tpu.enqueue_dma source(%dma_start3A_133 : memref<80xi32, #tpu.memory_space<hbm>>) target(%arg13 : memref<80xi32, #tpu.memory_space<vmem>>) target_semaphore(%arg19 : memref<!tpu.dma_semaphore, #tpu.memory_space<semaphore_mem>>)
        %dma_start3A_134 = tpu.memref_slice %arg4[%add3A_131] : memref<320000xi32, #tpu.memory_space<hbm>> -> memref<80xi32, #tpu.memory_space<hbm>>
        %dma_start3A_135 = tpu.memref_slice %arg4[%add3A_131] : memref<320000xi32, #tpu.memory_space<hbm>> -> memref<80xi32, #tpu.memory_space<hbm>>
        tpu.enqueue_dma source(%dma_start3A_135 : memref<80xi32, #tpu.memory_space<hbm>>) target(%arg14 : memref<80xi32, #tpu.memory_space<vmem>>) target_semaphore(%arg19 : memref<!tpu.dma_semaphore, #tpu.memory_space<semaphore_mem>>)
      } else {
      }
    }
    %scan3A_43 = arith.constant 41 : i32
    %dma_wait3A_44 = arith.constant 0 : i32
    %dma_wait3A_45 = arith.constant 0 : i32
    %dma_wait3A_46 = tpu.memref_slice %arg2[%dma_wait3A_44, %dma_wait3A_45] : memref<10000x128xf32, #tpu.memory_space<hbm>> -> memref<10000x128xf32, #tpu.memory_space<hbm>>
    tpu.wait_indirect_dma semaphore(%arg20 : memref<!tpu.dma_semaphore, #tpu.memory_space<semaphore_mem>>) src(%dma_wait3A_46 : memref<10000x128xf32, #tpu.memory_space<hbm>>) dst(%arg9 : memref<80x128xf32, #tpu.memory_space<vmem>>)
    "tpu.region"() ({
      %run_scoped3A = tpu.sem_alloc : memref<!tpu.dma_semaphore, #tpu.memory_space<semaphore_mem>>
      %dma_start3A_51 = arith.constant 0 : i32
      %dma_start3A_52 = arith.constant 0 : i32
      %dma_start3A_53 = tpu.memref_slice %arg16[%dma_start3A_51, %dma_start3A_52] : memref<10240x128xf32, #tpu.memory_space<vmem_shared>> -> memref<10240x128xf32, #tpu.memory_space<vmem_shared>>
      tpu.enqueue_indirect_dma source(%arg9 : memref<80x128xf32, #tpu.memory_space<vmem>>) target(%dma_start3A_53 : memref<10240x128xf32, #tpu.memory_space<vmem_shared>>) offsets(%arg8 : memref<80xi32, #tpu.memory_space<vmem>>) semaphore(%run_scoped3A : memref<!tpu.dma_semaphore, #tpu.memory_space<semaphore_mem>>) {add = true}
      %dma_wait3A_54 = arith.constant 0 : i32
      %dma_wait3A_55 = arith.constant 0 : i32
      %dma_wait3A_56 = tpu.memref_slice %arg16[%dma_wait3A_54, %dma_wait3A_55] : memref<10240x128xf32, #tpu.memory_space<vmem_shared>> -> memref<10240x128xf32, #tpu.memory_space<vmem_shared>>
      tpu.wait_indirect_dma semaphore(%run_scoped3A : memref<!tpu.dma_semaphore, #tpu.memory_space<semaphore_mem>>) src(%arg9 : memref<80x128xf32, #tpu.memory_space<vmem>>) dst(%dma_wait3A_56 : memref<10240x128xf32, #tpu.memory_space<vmem_shared>>)
      tpu.yield
    }) : () -> ()
    %dma_wait3A_47 = arith.constant 0 : i32
    %dma_wait3A_48 = arith.constant 0 : i32
    %dma_wait3A_49 = tpu.memref_slice %arg2[%dma_wait3A_47, %dma_wait3A_48] : memref<10000x128xf32, #tpu.memory_space<hbm>> -> memref<10000x128xf32, #tpu.memory_space<hbm>>
    tpu.wait_indirect_dma semaphore(%arg21 : memref<!tpu.dma_semaphore, #tpu.memory_space<semaphore_mem>>) src(%dma_wait3A_49 : memref<10000x128xf32, #tpu.memory_space<hbm>>) dst(%arg12 : memref<80x128xf32, #tpu.memory_space<vmem>>)
    "tpu.region"() ({
      %run_scoped3A = tpu.sem_alloc : memref<!tpu.dma_semaphore, #tpu.memory_space<semaphore_mem>>
      %dma_start3A_51 = arith.constant 0 : i32
      %dma_start3A_52 = arith.constant 0 : i32
      %dma_start3A_53 = tpu.memref_slice %arg16[%dma_start3A_51, %dma_start3A_52] : memref<10240x128xf32, #tpu.memory_space<vmem_shared>> -> memref<10240x128xf32, #tpu.memory_space<vmem_shared>>
      tpu.enqueue_indirect_dma source(%arg12 : memref<80x128xf32, #tpu.memory_space<vmem>>) target(%dma_start3A_53 : memref<10240x128xf32, #tpu.memory_space<vmem_shared>>) offsets(%arg11 : memref<80xi32, #tpu.memory_space<vmem>>) semaphore(%run_scoped3A : memref<!tpu.dma_semaphore, #tpu.memory_space<semaphore_mem>>) {add = true}
      %dma_wait3A_54 = arith.constant 0 : i32
      %dma_wait3A_55 = arith.constant 0 : i32
      %dma_wait3A_56 = tpu.memref_slice %arg16[%dma_wait3A_54, %dma_wait3A_55] : memref<10240x128xf32, #tpu.memory_space<vmem_shared>> -> memref<10240x128xf32, #tpu.memory_space<vmem_shared>>
      tpu.wait_indirect_dma semaphore(%run_scoped3A : memref<!tpu.dma_semaphore, #tpu.memory_space<semaphore_mem>>) src(%arg12 : memref<80x128xf32, #tpu.memory_space<vmem>>) dst(%dma_wait3A_56 : memref<10240x128xf32, #tpu.memory_space<vmem_shared>>)
      tpu.yield
    }) : () -> ()
    %barrier3A_50 = arith.constant 0 : index
    tpu.barrier barrier_id(%barrier3A_50)
    "tpu.region"() ({
      %run_scoped3A = tpu.sem_alloc : memref<!tpu.dma_semaphore, #tpu.memory_space<semaphore_mem>>
      %dma_start3A_51 = arith.constant 0 : i32
      %dma_start3A_52 = tpu.memref_slice %arg6[%arg0, %mul3A_0, %dma_start3A_51] : memref<2x10240x128xf32, #tpu.memory_space<hbm>> -> memref<1x640x128xf32, #tpu.memory_space<hbm>>
      %dma_start3A_53 = tpu.memref_squeeze %dma_start3A_52 : memref<1x640x128xf32, #tpu.memory_space<hbm>> -> memref<640x128xf32, #tpu.memory_space<hbm>>
      %dma_start3A_54 = arith.constant 0 : i32
      %dma_start3A_55 = tpu.memref_slice %arg16[%mul3A_0, %dma_start3A_54] : memref<10240x128xf32, #tpu.memory_space<vmem_shared>> -> memref<640x128xf32, #tpu.memory_space<vmem_shared>>
      tpu.enqueue_dma source(%dma_start3A_55 : memref<640x128xf32, #tpu.memory_space<vmem_shared>>) target(%dma_start3A_53 : memref<640x128xf32, #tpu.memory_space<hbm>>) target_semaphore(%run_scoped3A : memref<!tpu.dma_semaphore, #tpu.memory_space<semaphore_mem>>)
      %dma_wait3A_56 = arith.constant 0 : i32
      %dma_wait3A_57 = tpu.memref_slice %arg6[%arg0, %mul3A_0, %dma_wait3A_56] : memref<2x10240x128xf32, #tpu.memory_space<hbm>> -> memref<1x640x128xf32, #tpu.memory_space<hbm>>
      %dma_wait3A_58 = tpu.memref_squeeze %dma_wait3A_57 : memref<1x640x128xf32, #tpu.memory_space<hbm>> -> memref<640x128xf32, #tpu.memory_space<hbm>>
      %dma_wait3A_59 = arith.constant 0 : i32
      %dma_wait3A_60 = tpu.memref_slice %arg16[%mul3A_0, %dma_wait3A_59] : memref<10240x128xf32, #tpu.memory_space<vmem_shared>> -> memref<640x128xf32, #tpu.memory_space<vmem_shared>>
      tpu.wait_dma2 semaphore(%run_scoped3A : memref<!tpu.dma_semaphore, #tpu.memory_space<semaphore_mem>>) src(%dma_wait3A_60 : memref<640x128xf32, #tpu.memory_space<vmem_shared>>) dst(%dma_wait3A_58 : memref<640x128xf32, #tpu.memory_space<hbm>>)
      tpu.yield
    }) : () -> ()
    return
  }
}

#map = affine_map<(d0, d1) -> (0, 0)>
#map1 = affine_map<(d0, d1) -> (0)>
#map2 = affine_map<(d0, d1) -> (0, 0, 0)>
module attributes {stable_mosaic.version = 14 : i64} {
  func.func @seg(%arg0: i32, %arg1: i32, %arg2: memref<10000x128xf32, #tpu.memory_space<hbm>>, %arg3: memref<320000xi32, #tpu.memory_space<hbm>>, %arg4: memref<320000xi32, #tpu.memory_space<hbm>>, %arg5: memref<10240x128xf32, #tpu.memory_space<hbm>>, %arg6: memref<2x10240x128xf32, #tpu.memory_space<hbm>>, %arg7: memref<80xi32, #tpu.memory_space<vmem>>, %arg8: memref<80xi32, #tpu.memory_space<vmem>>, %arg9: memref<80x128xf32, #tpu.memory_space<vmem>>, %arg10: memref<80xi32, #tpu.memory_space<vmem>>, %arg11: memref<80xi32, #tpu.memory_space<vmem>>, %arg12: memref<80x128xf32, #tpu.memory_space<vmem>>, %arg13: memref<80xi32, #tpu.memory_space<vmem>>, %arg14: memref<80xi32, #tpu.memory_space<vmem>>, %arg15: memref<80x128xf32, #tpu.memory_space<vmem>>, %arg16: memref<10240x128xf32, #tpu.memory_space<vmem_shared>>, %arg17: memref<!tpu.dma_semaphore, #tpu.memory_space<semaphore_mem>>, %arg18: memref<!tpu.dma_semaphore, #tpu.memory_space<semaphore_mem>>, %arg19: memref<!tpu.dma_semaphore, #tpu.memory_space<semaphore_mem>>, %arg20: memref<!tpu.dma_semaphore, #tpu.memory_space<semaphore_mem>>, %arg21: memref<!tpu.dma_semaphore, #tpu.memory_space<semaphore_mem>>, %arg22: memref<!tpu.dma_semaphore, #tpu.memory_space<semaphore_mem>>) attributes {dimension_semantics = [#tpu.dimension_semantics<core_parallel>, #tpu.dimension_semantics<subcore_parallel>], iteration_bounds = array<i64: 2, 16>, scalar_prefetch = 0 : i64, scratch_operands = 16 : i64, tpu.core_type = #tpu.core_type<sc_vector_subcore>, window_params = [{transform_indices = #map}, {transform_indices = #map1}, {transform_indices = #map1}, {transform_indices = #map}, {transform_indices = #map2}]} {
    %mul3A = arith.constant 640 : i32
    %mul3A_0 = arith.muli %arg1, %mul3A : i32
    "tpu.region"() ({
      %run_scoped3A = tpu.sem_alloc : memref<!tpu.dma_semaphore, #tpu.memory_space<semaphore_mem>>
      %dma_start3A_51 = arith.constant 0 : i32
      %dma_start3A_52 = tpu.memref_slice %arg16[%mul3A_0, %dma_start3A_51] : memref<10240x128xf32, #tpu.memory_space<vmem_shared>> -> memref<640x128xf32, #tpu.memory_space<vmem_shared>>
      %dma_start3A_53 = arith.constant 0 : i32
      %dma_start3A_54 = tpu.memref_slice %arg5[%mul3A_0, %dma_start3A_53] : memref<10240x128xf32, #tpu.memory_space<hbm>> -> memref<640x128xf32, #tpu.memory_space<hbm>>
      tpu.enqueue_dma source(%dma_start3A_54 : memref<640x128xf32, #tpu.memory_space<hbm>>) target(%dma_start3A_52 : memref<640x128xf32, #tpu.memory_space<vmem_shared>>) target_semaphore(%run_scoped3A : memref<!tpu.dma_semaphore, #tpu.memory_space<semaphore_mem>>)
      %dma_wait3A_55 = arith.constant 0 : i32
      %dma_wait3A_56 = tpu.memref_slice %arg16[%mul3A_0, %dma_wait3A_55] : memref<10240x128xf32, #tpu.memory_space<vmem_shared>> -> memref<640x128xf32, #tpu.memory_space<vmem_shared>>
      %dma_wait3A_57 = arith.constant 0 : i32
      %dma_wait3A_58 = tpu.memref_slice %arg5[%mul3A_0, %dma_wait3A_57] : memref<10240x128xf32, #tpu.memory_space<hbm>> -> memref<640x128xf32, #tpu.memory_space<hbm>>
      tpu.wait_dma2 semaphore(%run_scoped3A : memref<!tpu.dma_semaphore, #tpu.memory_space<semaphore_mem>>) src(%dma_wait3A_58 : memref<640x128xf32, #tpu.memory_space<hbm>>) dst(%dma_wait3A_56 : memref<640x128xf32, #tpu.memory_space<vmem_shared>>)
      tpu.yield
    }) : () -> ()
    %mul3A_1 = arith.constant 160000 : i32
    %mul3A_2 = arith.muli %arg0, %mul3A_1 : i32
    %mul3A_3 = arith.constant 10000 : i32
    %mul3A_4 = arith.muli %arg1, %mul3A_3 : i32
    %add3A = arith.addi %mul3A_2, %mul3A_4 : i32
    %add3A_5 = arith.constant 0 : i32
    %add3A_6 = arith.addi %add3A, %add3A_5 : i32
    %dma_start3A = tpu.memref_slice %arg3[%add3A_6] : memref<320000xi32, #tpu.memory_space<hbm>> -> memref<80xi32, #tpu.memory_space<hbm>>
    %dma_start3A_7 = tpu.memref_slice %arg3[%add3A_6] : memref<320000xi32, #tpu.memory_space<hbm>> -> memref<80xi32, #tpu.memory_space<hbm>>
    tpu.enqueue_dma source(%dma_start3A_7 : memref<80xi32, #tpu.memory_space<hbm>>) target(%arg7 : memref<80xi32, #tpu.memory_space<vmem>>) target_semaphore(%arg17 : memref<!tpu.dma_semaphore, #tpu.memory_space<semaphore_mem>>)
    %dma_start3A_8 = tpu.memref_slice %arg4[%add3A_6] : memref<320000xi32, #tpu.memory_space<hbm>> -> memref<80xi32, #tpu.memory_space<hbm>>
    %dma_start3A_9 = tpu.memref_slice %arg4[%add3A_6] : memref<320000xi32, #tpu.memory_space<hbm>> -> memref<80xi32, #tpu.memory_space<hbm>>
    tpu.enqueue_dma source(%dma_start3A_9 : memref<80xi32, #tpu.memory_space<hbm>>) target(%arg8 : memref<80xi32, #tpu.memory_space<vmem>>) target_semaphore(%arg17 : memref<!tpu.dma_semaphore, #tpu.memory_space<semaphore_mem>>)
    %add3A_10 = arith.constant 80 : i32
    %add3A_11 = arith.addi %add3A, %add3A_10 : i32
    %dma_start3A_12 = tpu.memref_slice %arg3[%add3A_11] : memref<320000xi32, #tpu.memory_space<hbm>> -> memref<80xi32, #tpu.memory_space<hbm>>
    %dma_start3A_13 = tpu.memref_slice %arg3[%add3A_11] : memref<320000xi32, #tpu.memory_space<hbm>> -> memref<80xi32, #tpu.memory_space<hbm>>
    tpu.enqueue_dma source(%dma_start3A_13 : memref<80xi32, #tpu.memory_space<hbm>>) target(%arg10 : memref<80xi32, #tpu.memory_space<vmem>>) target_semaphore(%arg18 : memref<!tpu.dma_semaphore, #tpu.memory_space<semaphore_mem>>)
    %dma_start3A_14 = tpu.memref_slice %arg4[%add3A_11] : memref<320000xi32, #tpu.memory_space<hbm>> -> memref<80xi32, #tpu.memory_space<hbm>>
    %dma_start3A_15 = tpu.memref_slice %arg4[%add3A_11] : memref<320000xi32, #tpu.memory_space<hbm>> -> memref<80xi32, #tpu.memory_space<hbm>>
    tpu.enqueue_dma source(%dma_start3A_15 : memref<80xi32, #tpu.memory_space<hbm>>) target(%arg11 : memref<80xi32, #tpu.memory_space<vmem>>) target_semaphore(%arg18 : memref<!tpu.dma_semaphore, #tpu.memory_space<semaphore_mem>>)
    %add3A_16 = arith.constant 0 : i32
    %add3A_17 = arith.addi %add3A, %add3A_16 : i32
    %dma_wait3A = tpu.memref_slice %arg3[%add3A_17] : memref<320000xi32, #tpu.memory_space<hbm>> -> memref<80xi32, #tpu.memory_space<hbm>>
    %dma_wait3A_18 = tpu.memref_slice %arg3[%add3A_17] : memref<320000xi32, #tpu.memory_space<hbm>> -> memref<80xi32, #tpu.memory_space<hbm>>
    tpu.wait_dma2 semaphore(%arg17 : memref<!tpu.dma_semaphore, #tpu.memory_space<semaphore_mem>>) src(%dma_wait3A_18 : memref<80xi32, #tpu.memory_space<hbm>>) dst(%arg7 : memref<80xi32, #tpu.memory_space<vmem>>)
    %dma_wait3A_19 = tpu.memref_slice %arg4[%add3A_17] : memref<320000xi32, #tpu.memory_space<hbm>> -> memref<80xi32, #tpu.memory_space<hbm>>
    %dma_wait3A_20 = tpu.memref_slice %arg4[%add3A_17] : memref<320000xi32, #tpu.memory_space<hbm>> -> memref<80xi32, #tpu.memory_space<hbm>>
    tpu.wait_dma2 semaphore(%arg17 : memref<!tpu.dma_semaphore, #tpu.memory_space<semaphore_mem>>) src(%dma_wait3A_20 : memref<80xi32, #tpu.memory_space<hbm>>) dst(%arg8 : memref<80xi32, #tpu.memory_space<vmem>>)
    %dma_start3A_21 = arith.constant 0 : i32
    %dma_start3A_22 = arith.constant 0 : i32
    %dma_start3A_23 = tpu.memref_slice %arg2[%dma_start3A_21, %dma_start3A_22] : memref<10000x128xf32, #tpu.memory_space<hbm>> -> memref<10000x128xf32, #tpu.memory_space<hbm>>
    tpu.enqueue_indirect_dma source(%dma_start3A_23 : memref<10000x128xf32, #tpu.memory_space<hbm>>) target(%arg9 : memref<80x128xf32, #tpu.memory_space<vmem>>) offsets(%arg7 : memref<80xi32, #tpu.memory_space<vmem>>) semaphore(%arg20 : memref<!tpu.dma_semaphore, #tpu.memory_space<semaphore_mem>>)
    %add3A_24 = arith.constant 80 : i32
    %add3A_25 = arith.addi %add3A, %add3A_24 : i32
    %dma_wait3A_26 = tpu.memref_slice %arg3[%add3A_25] : memref<320000xi32, #tpu.memory_space<hbm>> -> memref<80xi32, #tpu.memory_space<hbm>>
    %dma_wait3A_27 = tpu.memref_slice %arg3[%add3A_25] : memref<320000xi32, #tpu.memory_space<hbm>> -> memref<80xi32, #tpu.memory_space<hbm>>
    tpu.wait_dma2 semaphore(%arg18 : memref<!tpu.dma_semaphore, #tpu.memory_space<semaphore_mem>>) src(%dma_wait3A_27 : memref<80xi32, #tpu.memory_space<hbm>>) dst(%arg10 : memref<80xi32, #tpu.memory_space<vmem>>)
    %dma_wait3A_28 = tpu.memref_slice %arg4[%add3A_25] : memref<320000xi32, #tpu.memory_space<hbm>> -> memref<80xi32, #tpu.memory_space<hbm>>
    %dma_wait3A_29 = tpu.memref_slice %arg4[%add3A_25] : memref<320000xi32, #tpu.memory_space<hbm>> -> memref<80xi32, #tpu.memory_space<hbm>>
    tpu.wait_dma2 semaphore(%arg18 : memref<!tpu.dma_semaphore, #tpu.memory_space<semaphore_mem>>) src(%dma_wait3A_29 : memref<80xi32, #tpu.memory_space<hbm>>) dst(%arg11 : memref<80xi32, #tpu.memory_space<vmem>>)
    %dma_start3A_30 = arith.constant 0 : i32
    %dma_start3A_31 = arith.constant 0 : i32
    %dma_start3A_32 = tpu.memref_slice %arg2[%dma_start3A_30, %dma_start3A_31] : memref<10000x128xf32, #tpu.memory_space<hbm>> -> memref<10000x128xf32, #tpu.memory_space<hbm>>
    tpu.enqueue_indirect_dma source(%dma_start3A_32 : memref<10000x128xf32, #tpu.memory_space<hbm>>) target(%arg12 : memref<80x128xf32, #tpu.memory_space<vmem>>) offsets(%arg10 : memref<80xi32, #tpu.memory_space<vmem>>) semaphore(%arg21 : memref<!tpu.dma_semaphore, #tpu.memory_space<semaphore_mem>>)
    %add3A_33 = arith.constant 160 : i32
    %add3A_34 = arith.addi %add3A, %add3A_33 : i32
    %dma_start3A_35 = tpu.memref_slice %arg3[%add3A_34] : memref<320000xi32, #tpu.memory_space<hbm>> -> memref<80xi32, #tpu.memory_space<hbm>>
    %dma_start3A_36 = tpu.memref_slice %arg3[%add3A_34] : memref<320000xi32, #tpu.memory_space<hbm>> -> memref<80xi32, #tpu.memory_space<hbm>>
    tpu.enqueue_dma source(%dma_start3A_36 : memref<80xi32, #tpu.memory_space<hbm>>) target(%arg13 : memref<80xi32, #tpu.memory_space<vmem>>) target_semaphore(%arg19 : memref<!tpu.dma_semaphore, #tpu.memory_space<semaphore_mem>>)
    %dma_start3A_37 = tpu.memref_slice %arg4[%add3A_34] : memref<320000xi32, #tpu.memory_space<hbm>> -> memref<80xi32, #tpu.memory_space<hbm>>
    %dma_start3A_38 = tpu.memref_slice %arg4[%add3A_34] : memref<320000xi32, #tpu.memory_space<hbm>> -> memref<80xi32, #tpu.memory_space<hbm>>
    tpu.enqueue_dma source(%dma_start3A_38 : memref<80xi32, #tpu.memory_space<hbm>>) target(%arg14 : memref<80xi32, #tpu.memory_space<vmem>>) target_semaphore(%arg19 : memref<!tpu.dma_semaphore, #tpu.memory_space<semaphore_mem>>)
    %barrier3A = arith.constant 0 : index
    tpu.barrier barrier_id(%barrier3A)
    %scan3A = arith.constant 0 : i32
    %scan3A_39 = arith.constant 0 : i32
    %scan3A_40 = arith.constant 41 : i32
    %scan3A_41 = arith.addi %scan3A_39, %scan3A_40 : i32
    %scan3A_42 = arith.constant 1 : i32
    scf.for %scan3A_51 = %scan3A_39 to %scan3A_41 step %scan3A_42  : i32 {
      %mul3A_52 = arith.constant 3 : i32
      %mul3A_53 = arith.muli %mul3A_52, %scan3A_51 : i32
      %add3A_54 = arith.constant 0 : i32
      %add3A_55 = arith.addi %mul3A_53, %add3A_54 : i32
      %add3A_56 = arith.constant 2 : i32
      %add3A_57 = arith.addi %add3A_55, %add3A_56 : i32
      %mul3A_58 = arith.constant 80 : i32
      %mul3A_59 = arith.muli %add3A_57, %mul3A_58 : i32
      %add3A_60 = arith.addi %add3A, %mul3A_59 : i32
      %dma_wait3A_61 = tpu.memref_slice %arg3[%add3A_60] : memref<320000xi32, #tpu.memory_space<hbm>> -> memref<80xi32, #tpu.memory_space<hbm>>
      %dma_wait3A_62 = tpu.memref_slice %arg3[%add3A_60] : memref<320000xi32, #tpu.memory_space<hbm>> -> memref<80xi32, #tpu.memory_space<hbm>>
      tpu.wait_dma2 semaphore(%arg19 : memref<!tpu.dma_semaphore, #tpu.memory_space<semaphore_mem>>) src(%dma_wait3A_62 : memref<80xi32, #tpu.memory_space<hbm>>) dst(%arg13 : memref<80xi32, #tpu.memory_space<vmem>>)
      %dma_wait3A_63 = tpu.memref_slice %arg4[%add3A_60] : memref<320000xi32, #tpu.memory_space<hbm>> -> memref<80xi32, #tpu.memory_space<hbm>>
      %dma_wait3A_64 = tpu.memref_slice %arg4[%add3A_60] : memref<320000xi32, #tpu.memory_space<hbm>> -> memref<80xi32, #tpu.memory_space<hbm>>
      tpu.wait_dma2 semaphore(%arg19 : memref<!tpu.dma_semaphore, #tpu.memory_space<semaphore_mem>>) src(%dma_wait3A_64 : memref<80xi32, #tpu.memory_space<hbm>>) dst(%arg14 : memref<80xi32, #tpu.memory_space<vmem>>)
      %dma_start3A_65 = arith.constant 0 : i32
      %dma_start3A_66 = arith.constant 0 : i32
      %dma_start3A_67 = tpu.memref_slice %arg2[%dma_start3A_65, %dma_start3A_66] : memref<10000x128xf32, #tpu.memory_space<hbm>> -> memref<10000x128xf32, #tpu.memory_space<hbm>>
      tpu.enqueue_indirect_dma source(%dma_start3A_67 : memref<10000x128xf32, #tpu.memory_space<hbm>>) target(%arg15 : memref<80x128xf32, #tpu.memory_space<vmem>>) offsets(%arg13 : memref<80xi32, #tpu.memory_space<vmem>>) semaphore(%arg22 : memref<!tpu.dma_semaphore, #tpu.memory_space<semaphore_mem>>)
      %dma_wait3A_68 = arith.constant 0 : i32
      %dma_wait3A_69 = arith.constant 0 : i32
      %dma_wait3A_70 = tpu.memref_slice %arg2[%dma_wait3A_68, %dma_wait3A_69] : memref<10000x128xf32, #tpu.memory_space<hbm>> -> memref<10000x128xf32, #tpu.memory_space<hbm>>
      tpu.wait_indirect_dma semaphore(%arg20 : memref<!tpu.dma_semaphore, #tpu.memory_space<semaphore_mem>>) src(%dma_wait3A_70 : memref<10000x128xf32, #tpu.memory_space<hbm>>) dst(%arg9 : memref<80x128xf32, #tpu.memory_space<vmem>>)
      "tpu.region"() ({
        %run_scoped3A = tpu.sem_alloc : memref<!tpu.dma_semaphore, #tpu.memory_space<semaphore_mem>>
        %dma_start3A_127 = arith.constant 0 : i32
        %dma_start3A_128 = arith.constant 0 : i32
        %dma_start3A_129 = tpu.memref_slice %arg16[%dma_start3A_127, %dma_start3A_128] : memref<10240x128xf32, #tpu.memory_space<vmem_shared>> -> memref<10240x128xf32, #tpu.memory_space<vmem_shared>>
        tpu.enqueue_indirect_dma source(%arg9 : memref<80x128xf32, #tpu.memory_space<vmem>>) target(%dma_start3A_129 : memref<10240x128xf32, #tpu.memory_space<vmem_shared>>) offsets(%arg8 : memref<80xi32, #tpu.memory_space<vmem>>) semaphore(%run_scoped3A : memref<!tpu.dma_semaphore, #tpu.memory_space<semaphore_mem>>) {add = true}
        %dma_wait3A_130 = arith.constant 0 : i32
        %dma_wait3A_131 = arith.constant 0 : i32
        %dma_wait3A_132 = tpu.memref_slice %arg16[%dma_wait3A_130, %dma_wait3A_131] : memref<10240x128xf32, #tpu.memory_space<vmem_shared>> -> memref<10240x128xf32, #tpu.memory_space<vmem_shared>>
        tpu.wait_indirect_dma semaphore(%run_scoped3A : memref<!tpu.dma_semaphore, #tpu.memory_space<semaphore_mem>>) src(%arg9 : memref<80x128xf32, #tpu.memory_space<vmem>>) dst(%dma_wait3A_132 : memref<10240x128xf32, #tpu.memory_space<vmem_shared>>)
        tpu.yield
      }) : () -> ()
      %add3A_71 = arith.constant 3 : i32
      %add3A_72 = arith.addi %add3A_55, %add3A_71 : i32
      %lt3A = arith.constant 125 : i32
      %lt3A_73 = arith.cmpi slt, %add3A_72, %lt3A : i32
      %convert_element_type3A = arith.extui %lt3A_73 : i1 to i32
      %cond3A = arith.constant 0 : i32
      %cond3A_74 = arith.cmpi ne, %convert_element_type3A, %cond3A : i32
      scf.if %cond3A_74 {
        %add3A_127 = arith.constant 3 : i32
        %add3A_128 = arith.addi %add3A_55, %add3A_127 : i32
        %mul3A_129 = arith.constant 80 : i32
        %mul3A_130 = arith.muli %add3A_128, %mul3A_129 : i32
        %add3A_131 = arith.addi %add3A, %mul3A_130 : i32
        %dma_start3A_132 = tpu.memref_slice %arg3[%add3A_131] : memref<320000xi32, #tpu.memory_space<hbm>> -> memref<80xi32, #tpu.memory_space<hbm>>
        %dma_start3A_133 = tpu.memref_slice %arg3[%add3A_131] : memref<320000xi32, #tpu.memory_space<hbm>> -> memref<80xi32, #tpu.memory_space<hbm>>
        tpu.enqueue_dma source(%dma_start3A_133 : memref<80xi32, #tpu.memory_space<hbm>>) target(%arg7 : memref<80xi32, #tpu.memory_space<vmem>>) target_semaphore(%arg17 : memref<!tpu.dma_semaphore, #tpu.memory_space<semaphore_mem>>)
        %dma_start3A_134 = tpu.memref_slice %arg4[%add3A_131] : memref<320000xi32, #tpu.memory_space<hbm>> -> memref<80xi32, #tpu.memory_space<hbm>>
        %dma_start3A_135 = tpu.memref_slice %arg4[%add3A_131] : memref<320000xi32, #tpu.memory_space<hbm>> -> memref<80xi32, #tpu.memory_space<hbm>>
        tpu.enqueue_dma source(%dma_start3A_135 : memref<80xi32, #tpu.memory_space<hbm>>) target(%arg8 : memref<80xi32, #tpu.memory_space<vmem>>) target_semaphore(%arg17 : memref<!tpu.dma_semaphore, #tpu.memory_space<semaphore_mem>>)
      } else {
      }
      %mul3A_75 = arith.constant 3 : i32
      %mul3A_76 = arith.muli %mul3A_75, %scan3A_51 : i32
      %add3A_77 = arith.constant 1 : i32
      %add3A_78 = arith.addi %mul3A_76, %add3A_77 : i32
      %add3A_79 = arith.constant 2 : i32
      %add3A_80 = arith.addi %add3A_78, %add3A_79 : i32
      %mul3A_81 = arith.constant 80 : i32
      %mul3A_82 = arith.muli %add3A_80, %mul3A_81 : i32
      %add3A_83 = arith.addi %add3A, %mul3A_82 : i32
      %dma_wait3A_84 = tpu.memref_slice %arg3[%add3A_83] : memref<320000xi32, #tpu.memory_space<hbm>> -> memref<80xi32, #tpu.memory_space<hbm>>
      %dma_wait3A_85 = tpu.memref_slice %arg3[%add3A_83] : memref<320000xi32, #tpu.memory_space<hbm>> -> memref<80xi32, #tpu.memory_space<hbm>>
      tpu.wait_dma2 semaphore(%arg17 : memref<!tpu.dma_semaphore, #tpu.memory_space<semaphore_mem>>) src(%dma_wait3A_85 : memref<80xi32, #tpu.memory_space<hbm>>) dst(%arg7 : memref<80xi32, #tpu.memory_space<vmem>>)
      %dma_wait3A_86 = tpu.memref_slice %arg4[%add3A_83] : memref<320000xi32, #tpu.memory_space<hbm>> -> memref<80xi32, #tpu.memory_space<hbm>>
      %dma_wait3A_87 = tpu.memref_slice %arg4[%add3A_83] : memref<320000xi32, #tpu.memory_space<hbm>> -> memref<80xi32, #tpu.memory_space<hbm>>
      tpu.wait_dma2 semaphore(%arg17 : memref<!tpu.dma_semaphore, #tpu.memory_space<semaphore_mem>>) src(%dma_wait3A_87 : memref<80xi32, #tpu.memory_space<hbm>>) dst(%arg8 : memref<80xi32, #tpu.memory_space<vmem>>)
      %dma_start3A_88 = arith.constant 0 : i32
      %dma_start3A_89 = arith.constant 0 : i32
      %dma_start3A_90 = tpu.memref_slice %arg2[%dma_start3A_88, %dma_start3A_89] : memref<10000x128xf32, #tpu.memory_space<hbm>> -> memref<10000x128xf32, #tpu.memory_space<hbm>>
      tpu.enqueue_indirect_dma source(%dma_start3A_90 : memref<10000x128xf32, #tpu.memory_space<hbm>>) target(%arg9 : memref<80x128xf32, #tpu.memory_space<vmem>>) offsets(%arg7 : memref<80xi32, #tpu.memory_space<vmem>>) semaphore(%arg20 : memref<!tpu.dma_semaphore, #tpu.memory_space<semaphore_mem>>)
      %dma_wait3A_91 = arith.constant 0 : i32
      %dma_wait3A_92 = arith.constant 0 : i32
      %dma_wait3A_93 = tpu.memref_slice %arg2[%dma_wait3A_91, %dma_wait3A_92] : memref<10000x128xf32, #tpu.memory_space<hbm>> -> memref<10000x128xf32, #tpu.memory_space<hbm>>
      tpu.wait_indirect_dma semaphore(%arg21 : memref<!tpu.dma_semaphore, #tpu.memory_space<semaphore_mem>>) src(%dma_wait3A_93 : memref<10000x128xf32, #tpu.memory_space<hbm>>) dst(%arg12 : memref<80x128xf32, #tpu.memory_space<vmem>>)
      "tpu.region"() ({
        %run_scoped3A = tpu.sem_alloc : memref<!tpu.dma_semaphore, #tpu.memory_space<semaphore_mem>>
        %dma_start3A_127 = arith.constant 0 : i32
        %dma_start3A_128 = arith.constant 0 : i32
        %dma_start3A_129 = tpu.memref_slice %arg16[%dma_start3A_127, %dma_start3A_128] : memref<10240x128xf32, #tpu.memory_space<vmem_shared>> -> memref<10240x128xf32, #tpu.memory_space<vmem_shared>>
        tpu.enqueue_indirect_dma source(%arg12 : memref<80x128xf32, #tpu.memory_space<vmem>>) target(%dma_start3A_129 : memref<10240x128xf32, #tpu.memory_space<vmem_shared>>) offsets(%arg11 : memref<80xi32, #tpu.memory_space<vmem>>) semaphore(%run_scoped3A : memref<!tpu.dma_semaphore, #tpu.memory_space<semaphore_mem>>) {add = true}
        %dma_wait3A_130 = arith.constant 0 : i32
        %dma_wait3A_131 = arith.constant 0 : i32
        %dma_wait3A_132 = tpu.memref_slice %arg16[%dma_wait3A_130, %dma_wait3A_131] : memref<10240x128xf32, #tpu.memory_space<vmem_shared>> -> memref<10240x128xf32, #tpu.memory_space<vmem_shared>>
        tpu.wait_indirect_dma semaphore(%run_scoped3A : memref<!tpu.dma_semaphore, #tpu.memory_space<semaphore_mem>>) src(%arg12 : memref<80x128xf32, #tpu.memory_space<vmem>>) dst(%dma_wait3A_132 : memref<10240x128xf32, #tpu.memory_space<vmem_shared>>)
        tpu.yield
      }) : () -> ()
      %add3A_94 = arith.constant 3 : i32
      %add3A_95 = arith.addi %add3A_78, %add3A_94 : i32
      %lt3A_96 = arith.constant 125 : i32
      %lt3A_97 = arith.cmpi slt, %add3A_95, %lt3A_96 : i32
      %convert_element_type3A_98 = arith.extui %lt3A_97 : i1 to i32
      %cond3A_99 = arith.constant 0 : i32
      %cond3A_100 = arith.cmpi ne, %convert_element_type3A_98, %cond3A_99 : i32
      scf.if %cond3A_100 {
        %add3A_127 = arith.constant 3 : i32
        %add3A_128 = arith.addi %add3A_78, %add3A_127 : i32
        %mul3A_129 = arith.constant 80 : i32
        %mul3A_130 = arith.muli %add3A_128, %mul3A_129 : i32
        %add3A_131 = arith.addi %add3A, %mul3A_130 : i32
        %dma_start3A_132 = tpu.memref_slice %arg3[%add3A_131] : memref<320000xi32, #tpu.memory_space<hbm>> -> memref<80xi32, #tpu.memory_space<hbm>>
        %dma_start3A_133 = tpu.memref_slice %arg3[%add3A_131] : memref<320000xi32, #tpu.memory_space<hbm>> -> memref<80xi32, #tpu.memory_space<hbm>>
        tpu.enqueue_dma source(%dma_start3A_133 : memref<80xi32, #tpu.memory_space<hbm>>) target(%arg10 : memref<80xi32, #tpu.memory_space<vmem>>) target_semaphore(%arg18 : memref<!tpu.dma_semaphore, #tpu.memory_space<semaphore_mem>>)
        %dma_start3A_134 = tpu.memref_slice %arg4[%add3A_131] : memref<320000xi32, #tpu.memory_space<hbm>> -> memref<80xi32, #tpu.memory_space<hbm>>
        %dma_start3A_135 = tpu.memref_slice %arg4[%add3A_131] : memref<320000xi32, #tpu.memory_space<hbm>> -> memref<80xi32, #tpu.memory_space<hbm>>
        tpu.enqueue_dma source(%dma_start3A_135 : memref<80xi32, #tpu.memory_space<hbm>>) target(%arg11 : memref<80xi32, #tpu.memory_space<vmem>>) target_semaphore(%arg18 : memref<!tpu.dma_semaphore, #tpu.memory_space<semaphore_mem>>)
      } else {
      }
      %mul3A_101 = arith.constant 3 : i32
      %mul3A_102 = arith.muli %mul3A_101, %scan3A_51 : i32
      %add3A_103 = arith.constant 2 : i32
      %add3A_104 = arith.addi %mul3A_102, %add3A_103 : i32
      %add3A_105 = arith.constant 2 : i32
      %add3A_106 = arith.addi %add3A_104, %add3A_105 : i32
      %mul3A_107 = arith.constant 80 : i32
      %mul3A_108 = arith.muli %add3A_106, %mul3A_107 : i32
      %add3A_109 = arith.addi %add3A, %mul3A_108 : i32
      %dma_wait3A_110 = tpu.memref_slice %arg3[%add3A_109] : memref<320000xi32, #tpu.memory_space<hbm>> -> memref<80xi32, #tpu.memory_space<hbm>>
      %dma_wait3A_111 = tpu.memref_slice %arg3[%add3A_109] : memref<320000xi32, #tpu.memory_space<hbm>> -> memref<80xi32, #tpu.memory_space<hbm>>
      tpu.wait_dma2 semaphore(%arg18 : memref<!tpu.dma_semaphore, #tpu.memory_space<semaphore_mem>>) src(%dma_wait3A_111 : memref<80xi32, #tpu.memory_space<hbm>>) dst(%arg10 : memref<80xi32, #tpu.memory_space<vmem>>)
      %dma_wait3A_112 = tpu.memref_slice %arg4[%add3A_109] : memref<320000xi32, #tpu.memory_space<hbm>> -> memref<80xi32, #tpu.memory_space<hbm>>
      %dma_wait3A_113 = tpu.memref_slice %arg4[%add3A_109] : memref<320000xi32, #tpu.memory_space<hbm>> -> memref<80xi32, #tpu.memory_space<hbm>>
      tpu.wait_dma2 semaphore(%arg18 : memref<!tpu.dma_semaphore, #tpu.memory_space<semaphore_mem>>) src(%dma_wait3A_113 : memref<80xi32, #tpu.memory_space<hbm>>) dst(%arg11 : memref<80xi32, #tpu.memory_space<vmem>>)
      %dma_start3A_114 = arith.constant 0 : i32
      %dma_start3A_115 = arith.constant 0 : i32
      %dma_start3A_116 = tpu.memref_slice %arg2[%dma_start3A_114, %dma_start3A_115] : memref<10000x128xf32, #tpu.memory_space<hbm>> -> memref<10000x128xf32, #tpu.memory_space<hbm>>
      tpu.enqueue_indirect_dma source(%dma_start3A_116 : memref<10000x128xf32, #tpu.memory_space<hbm>>) target(%arg12 : memref<80x128xf32, #tpu.memory_space<vmem>>) offsets(%arg10 : memref<80xi32, #tpu.memory_space<vmem>>) semaphore(%arg21 : memref<!tpu.dma_semaphore, #tpu.memory_space<semaphore_mem>>)
      %dma_wait3A_117 = arith.constant 0 : i32
      %dma_wait3A_118 = arith.constant 0 : i32
      %dma_wait3A_119 = tpu.memref_slice %arg2[%dma_wait3A_117, %dma_wait3A_118] : memref<10000x128xf32, #tpu.memory_space<hbm>> -> memref<10000x128xf32, #tpu.memory_space<hbm>>
      tpu.wait_indirect_dma semaphore(%arg22 : memref<!tpu.dma_semaphore, #tpu.memory_space<semaphore_mem>>) src(%dma_wait3A_119 : memref<10000x128xf32, #tpu.memory_space<hbm>>) dst(%arg15 : memref<80x128xf32, #tpu.memory_space<vmem>>)
      "tpu.region"() ({
        %run_scoped3A = tpu.sem_alloc : memref<!tpu.dma_semaphore, #tpu.memory_space<semaphore_mem>>
        %dma_start3A_127 = arith.constant 0 : i32
        %dma_start3A_128 = arith.constant 0 : i32
        %dma_start3A_129 = tpu.memref_slice %arg16[%dma_start3A_127, %dma_start3A_128] : memref<10240x128xf32, #tpu.memory_space<vmem_shared>> -> memref<10240x128xf32, #tpu.memory_space<vmem_shared>>
        tpu.enqueue_indirect_dma source(%arg15 : memref<80x128xf32, #tpu.memory_space<vmem>>) target(%dma_start3A_129 : memref<10240x128xf32, #tpu.memory_space<vmem_shared>>) offsets(%arg14 : memref<80xi32, #tpu.memory_space<vmem>>) semaphore(%run_scoped3A : memref<!tpu.dma_semaphore, #tpu.memory_space<semaphore_mem>>) {add = true}
        %dma_wait3A_130 = arith.constant 0 : i32
        %dma_wait3A_131 = arith.constant 0 : i32
        %dma_wait3A_132 = tpu.memref_slice %arg16[%dma_wait3A_130, %dma_wait3A_131] : memref<10240x128xf32, #tpu.memory_space<vmem_shared>> -> memref<10240x128xf32, #tpu.memory_space<vmem_shared>>
        tpu.wait_indirect_dma semaphore(%run_scoped3A : memref<!tpu.dma_semaphore, #tpu.memory_space<semaphore_mem>>) src(%arg15 : memref<80x128xf32, #tpu.memory_space<vmem>>) dst(%dma_wait3A_132 : memref<10240x128xf32, #tpu.memory_space<vmem_shared>>)
        tpu.yield
      }) : () -> ()
      %add3A_120 = arith.constant 3 : i32
      %add3A_121 = arith.addi %add3A_104, %add3A_120 : i32
      %lt3A_122 = arith.constant 125 : i32
      %lt3A_123 = arith.cmpi slt, %add3A_121, %lt3A_122 : i32
      %convert_element_type3A_124 = arith.extui %lt3A_123 : i1 to i32
      %cond3A_125 = arith.constant 0 : i32
      %cond3A_126 = arith.cmpi ne, %convert_element_type3A_124, %cond3A_125 : i32
      scf.if %cond3A_126 {
        %add3A_127 = arith.constant 3 : i32
        %add3A_128 = arith.addi %add3A_104, %add3A_127 : i32
        %mul3A_129 = arith.constant 80 : i32
        %mul3A_130 = arith.muli %add3A_128, %mul3A_129 : i32
        %add3A_131 = arith.addi %add3A, %mul3A_130 : i32
        %dma_start3A_132 = tpu.memref_slice %arg3[%add3A_131] : memref<320000xi32, #tpu.memory_space<hbm>> -> memref<80xi32, #tpu.memory_space<hbm>>
        %dma_start3A_133 = tpu.memref_slice %arg3[%add3A_131] : memref<320000xi32, #tpu.memory_space<hbm>> -> memref<80xi32, #tpu.memory_space<hbm>>
        tpu.enqueue_dma source(%dma_start3A_133 : memref<80xi32, #tpu.memory_space<hbm>>) target(%arg13 : memref<80xi32, #tpu.memory_space<vmem>>) target_semaphore(%arg19 : memref<!tpu.dma_semaphore, #tpu.memory_space<semaphore_mem>>)
        %dma_start3A_134 = tpu.memref_slice %arg4[%add3A_131] : memref<320000xi32, #tpu.memory_space<hbm>> -> memref<80xi32, #tpu.memory_space<hbm>>
        %dma_start3A_135 = tpu.memref_slice %arg4[%add3A_131] : memref<320000xi32, #tpu.memory_space<hbm>> -> memref<80xi32, #tpu.memory_space<hbm>>
        tpu.enqueue_dma source(%dma_start3A_135 : memref<80xi32, #tpu.memory_space<hbm>>) target(%arg14 : memref<80xi32, #tpu.memory_space<vmem>>) target_semaphore(%arg19 : memref<!tpu.dma_semaphore, #tpu.memory_space<semaphore_mem>>)
      } else {
      }
    }
    %scan3A_43 = arith.constant 41 : i32
    %dma_wait3A_44 = arith.constant 0 : i32
    %dma_wait3A_45 = arith.constant 0 : i32
    %dma_wait3A_46 = tpu.memref_slice %arg2[%dma_wait3A_44, %dma_wait3A_45] : memref<10000x128xf32, #tpu.memory_space<hbm>> -> memref<10000x128xf32, #tpu.memory_space<hbm>>
    tpu.wait_indirect_dma semaphore(%arg20 : memref<!tpu.dma_semaphore, #tpu.memory_space<semaphore_mem>>) src(%dma_wait3A_46 : memref<10000x128xf32, #tpu.memory_space<hbm>>) dst(%arg9 : memref<80x128xf32, #tpu.memory_space<vmem>>)
    "tpu.region"() ({
      %run_scoped3A = tpu.sem_alloc : memref<!tpu.dma_semaphore, #tpu.memory_space<semaphore_mem>>
      %dma_start3A_51 = arith.constant 0 : i32
      %dma_start3A_52 = arith.constant 0 : i32
      %dma_start3A_53 = tpu.memref_slice %arg16[%dma_start3A_51, %dma_start3A_52] : memref<10240x128xf32, #tpu.memory_space<vmem_shared>> -> memref<10240x128xf32, #tpu.memory_space<vmem_shared>>
      tpu.enqueue_indirect_dma source(%arg9 : memref<80x128xf32, #tpu.memory_space<vmem>>) target(%dma_start3A_53 : memref<10240x128xf32, #tpu.memory_space<vmem_shared>>) offsets(%arg8 : memref<80xi32, #tpu.memory_space<vmem>>) semaphore(%run_scoped3A : memref<!tpu.dma_semaphore, #tpu.memory_space<semaphore_mem>>) {add = true}
      %dma_wait3A_54 = arith.constant 0 : i32
      %dma_wait3A_55 = arith.constant 0 : i32
      %dma_wait3A_56 = tpu.memref_slice %arg16[%dma_wait3A_54, %dma_wait3A_55] : memref<10240x128xf32, #tpu.memory_space<vmem_shared>> -> memref<10240x128xf32, #tpu.memory_space<vmem_shared>>
      tpu.wait_indirect_dma semaphore(%run_scoped3A : memref<!tpu.dma_semaphore, #tpu.memory_space<semaphore_mem>>) src(%arg9 : memref<80x128xf32, #tpu.memory_space<vmem>>) dst(%dma_wait3A_56 : memref<10240x128xf32, #tpu.memory_space<vmem_shared>>)
      tpu.yield
    }) : () -> ()
    %dma_wait3A_47 = arith.constant 0 : i32
    %dma_wait3A_48 = arith.constant 0 : i32
    %dma_wait3A_49 = tpu.memref_slice %arg2[%dma_wait3A_47, %dma_wait3A_48] : memref<10000x128xf32, #tpu.memory_space<hbm>> -> memref<10000x128xf32, #tpu.memory_space<hbm>>
    tpu.wait_indirect_dma semaphore(%arg21 : memref<!tpu.dma_semaphore, #tpu.memory_space<semaphore_mem>>) src(%dma_wait3A_49 : memref<10000x128xf32, #tpu.memory_space<hbm>>) dst(%arg12 : memref<80x128xf32, #tpu.memory_space<vmem>>)
    "tpu.region"() ({
      %run_scoped3A = tpu.sem_alloc : memref<!tpu.dma_semaphore, #tpu.memory_space<semaphore_mem>>
      %dma_start3A_51 = arith.constant 0 : i32
      %dma_start3A_52 = arith.constant 0 : i32
      %dma_start3A_53 = tpu.memref_slice %arg16[%dma_start3A_51, %dma_start3A_52] : memref<10240x128xf32, #tpu.memory_space<vmem_shared>> -> memref<10240x128xf32, #tpu.memory_space<vmem_shared>>
      tpu.enqueue_indirect_dma source(%arg12 : memref<80x128xf32, #tpu.memory_space<vmem>>) target(%dma_start3A_53 : memref<10240x128xf32, #tpu.memory_space<vmem_shared>>) offsets(%arg11 : memref<80xi32, #tpu.memory_space<vmem>>) semaphore(%run_scoped3A : memref<!tpu.dma_semaphore, #tpu.memory_space<semaphore_mem>>) {add = true}
      %dma_wait3A_54 = arith.constant 0 : i32
      %dma_wait3A_55 = arith.constant 0 : i32
      %dma_wait3A_56 = tpu.memref_slice %arg16[%dma_wait3A_54, %dma_wait3A_55] : memref<10240x128xf32, #tpu.memory_space<vmem_shared>> -> memref<10240x128xf32, #tpu.memory_space<vmem_shared>>
      tpu.wait_indirect_dma semaphore(%run_scoped3A : memref<!tpu.dma_semaphore, #tpu.memory_space<semaphore_mem>>) src(%arg12 : memref<80x128xf32, #tpu.memory_space<vmem>>) dst(%dma_wait3A_56 : memref<10240x128xf32, #tpu.memory_space<vmem_shared>>)
      tpu.yield
    }) : () -> ()
    %barrier3A_50 = arith.constant 0 : index
    tpu.barrier barrier_id(%barrier3A_50)
    "tpu.region"() ({
      %run_scoped3A = tpu.sem_alloc : memref<!tpu.dma_semaphore, #tpu.memory_space<semaphore_mem>>
      %dma_start3A_51 = arith.constant 0 : i32
      %dma_start3A_52 = tpu.memref_slice %arg6[%arg0, %mul3A_0, %dma_start3A_51] : memref<2x10240x128xf32, #tpu.memory_space<hbm>> -> memref<1x640x128xf32, #tpu.memory_space<hbm>>
      %dma_start3A_53 = tpu.memref_squeeze %dma_start3A_52 : memref<1x640x128xf32, #tpu.memory_space<hbm>> -> memref<640x128xf32, #tpu.memory_space<hbm>>
      %dma_start3A_54 = arith.constant 0 : i32
      %dma_start3A_55 = tpu.memref_slice %arg16[%mul3A_0, %dma_start3A_54] : memref<10240x128xf32, #tpu.memory_space<vmem_shared>> -> memref<640x128xf32, #tpu.memory_space<vmem_shared>>
      tpu.enqueue_dma source(%dma_start3A_55 : memref<640x128xf32, #tpu.memory_space<vmem_shared>>) target(%dma_start3A_53 : memref<640x128xf32, #tpu.memory_space<hbm>>) target_semaphore(%run_scoped3A : memref<!tpu.dma_semaphore, #tpu.memory_space<semaphore_mem>>)
      %dma_wait3A_56 = arith.constant 0 : i32
      %dma_wait3A_57 = tpu.memref_slice %arg6[%arg0, %mul3A_0, %dma_wait3A_56] : memref<2x10240x128xf32, #tpu.memory_space<hbm>> -> memref<1x640x128xf32, #tpu.memory_space<hbm>>
      %dma_wait3A_58 = tpu.memref_squeeze %dma_wait3A_57 : memref<1x640x128xf32, #tpu.memory_space<hbm>> -> memref<640x128xf32, #tpu.memory_space<hbm>>
      %dma_wait3A_59 = arith.constant 0 : i32
      %dma_wait3A_60 = tpu.memref_slice %arg16[%mul3A_0, %dma_wait3A_59] : memref<10240x128xf32, #tpu.memory_space<vmem_shared>> -> memref<640x128xf32, #tpu.memory_space<vmem_shared>>
      tpu.wait_dma2 semaphore(%run_scoped3A : memref<!tpu.dma_semaphore, #tpu.memory_space<semaphore_mem>>) src(%dma_wait3A_60 : memref<640x128xf32, #tpu.memory_space<vmem_shared>>) dst(%dma_wait3A_58 : memref<640x128xf32, #tpu.memory_space<hbm>>)
      tpu.yield
    }) : () -> ()
    return
  }
}

module attributes {stable_mosaic.version = 14 : i64} {
  func.func @_pre_body(%arg0: i32, %arg1: memref<128x128xf32, #tpu.memory_space<vmem>>, %arg2: memref<128x128xf32, #tpu.memory_space<vmem>>, %arg3: memref<128x128xf32, #tpu.memory_space<vmem>>) attributes {dimension_semantics = [#tpu.dimension_semantics<arbitrary>], iteration_bounds = array<i64: 79>, scalar_prefetch = 0 : i64, scratch_operands = 0 : i64, tpu.core_type = #tpu.core_type<tc>, window_params = [{transform_indices = @transform_0, window_bounds = array<i64: 128, 128>}, {pipeline_mode = #tpu.pipeline_mode<synchronous>, transform_indices = @transform_1, window_bounds = array<i64: 128, 128>}, {transform_indices = @transform_2, window_bounds = array<i64: 128, 128>}]} {
    %get3A = arith.constant 0 : index
    %get3A_0 = arith.constant 0 : index
    %get3A_1 = vector.load %arg1[%get3A, %get3A_0] : memref<128x128xf32, #tpu.memory_space<vmem>>, vector<128x128xf32>
    %get3A_2 = arith.constant 0 : index
    %get3A_3 = arith.constant 0 : index
    %get3A_4 = vector.load %arg2[%get3A_2, %get3A_3] : memref<128x128xf32, #tpu.memory_space<vmem>>, vector<128x128xf32>
    %dot_general3A = arith.constant dense<0.000000e+00> : vector<128x128xf32>
    %dot_general3A_5 = tpu.matmul %get3A_1, %get3A_4, %dot_general3A {dimension_numbers = #tpu.dot_dimension_numbers<[1], [0], [0], [1], [0, 0, 1, 1], [], []>, transpose_lhs_hint = false} : vector<128x128xf32>, vector<128x128xf32>, vector<128x128xf32> -> vector<128x128xf32>
    %swap3A = arith.constant 0 : index
    %swap3A_6 = arith.constant 0 : index
    %swap3A_7 = vector.load %arg3[%swap3A, %swap3A_6] : memref<128x128xf32, #tpu.memory_space<vmem>>, vector<128x128xf32>
    tpu.vector_store %arg3[%swap3A, %swap3A_6], %dot_general3A_5 {strides = array<i32>} : memref<128x128xf32, #tpu.memory_space<vmem>>, vector<128x128xf32>,
    return
  }
  func.func @transform_0(%arg0: i32) -> (i32, i32) {
    %c0_i32 = arith.constant 0 : i32
    %c0_i32_0 = arith.constant 0 : i32
    return %arg0, %c0_i32 : i32, i32
  }
  func.func @transform_1(%arg0: i32) -> (i32, i32) {
    %c0_i32 = arith.constant 0 : i32
    %c0_i32_0 = arith.constant 0 : i32
    %c0_i32_1 = arith.constant 0 : i32
    return %c0_i32, %c0_i32_0 : i32, i32
  }
  func.func @transform_2(%arg0: i32) -> (i32, i32) {
    %c0_i32 = arith.constant 0 : i32
    %c0_i32_0 = arith.constant 0 : i32
    return %arg0, %c0_i32 : i32, i32
  }
}

module attributes {stable_mosaic.version = 14 : i64} {
  func.func @_hist_body(%arg0: i32, %arg1: memref<8000x1xi32, #tpu.memory_space<vmem>>, %arg2: memref<128x128xf32, #tpu.memory_space<vmem>>) attributes {dimension_semantics = [#tpu.dimension_semantics<arbitrary>], iteration_bounds = array<i64: 40>, scalar_prefetch = 0 : i64, scratch_operands = 0 : i64, tpu.core_type = #tpu.core_type<tc>, window_params = [{transform_indices = @transform_0, window_bounds = array<i64: 8000, 1>}, {pipeline_mode = #tpu.pipeline_mode<synchronous>, transform_indices = @transform_1, window_bounds = array<i64: 128, 128>}]} {
    %get3A = arith.constant 0 : index
    %get3A_0 = arith.constant 0 : index
    %get3A_1 = vector.load %arg1[%get3A, %get3A_0] : memref<8000x1xi32, #tpu.memory_space<vmem>>, vector<8000x1xi32>
    %iota3A = tpu.iota {dimensions = array<i32: 1>} : vector<1x128xi32>
    %shift_right_logical3A = arith.constant 7 : i32
    %shift_right_logical3A_2 = vector.broadcast %shift_right_logical3A : i32 to vector<8000x1xi32>
    %shift_right_logical3A_3 = arith.shrui %get3A_1, %shift_right_logical3A_2 : vector<8000x1xi32>
    %eq3A = vector.broadcast %shift_right_logical3A_3 : vector<8000x1xi32> to vector<8000x128xi32>
    %eq3A_4 = vector.broadcast %iota3A : vector<1x128xi32> to vector<8000x128xi32>
    %eq3A_5 = arith.cmpi eq, %eq3A, %eq3A_4 : vector<8000x128xi32>
    %convert_element_type3A = arith.extui %eq3A_5 : vector<8000x128xi1> to vector<8000x128xi32>
    %convert_element_type3A_6 = arith.sitofp %convert_element_type3A : vector<8000x128xi32> to vector<8000x128xf32>
    %convert_element_type3A_7 = arith.truncf %convert_element_type3A_6 : vector<8000x128xf32> to vector<8000x128xbf16>
    %and3A = arith.constant 127 : i32
    %and3A_8 = vector.broadcast %and3A : i32 to vector<8000x1xi32>
    %and3A_9 = arith.andi %get3A_1, %and3A_8 : vector<8000x1xi32>
    %eq3A_10 = vector.broadcast %and3A_9 : vector<8000x1xi32> to vector<8000x128xi32>
    %eq3A_11 = vector.broadcast %iota3A : vector<1x128xi32> to vector<8000x128xi32>
    %eq3A_12 = arith.cmpi eq, %eq3A_10, %eq3A_11 : vector<8000x128xi32>
    %convert_element_type3A_13 = arith.extui %eq3A_12 : vector<8000x128xi1> to vector<8000x128xi32>
    %convert_element_type3A_14 = arith.sitofp %convert_element_type3A_13 : vector<8000x128xi32> to vector<8000x128xf32>
    %convert_element_type3A_15 = arith.truncf %convert_element_type3A_14 : vector<8000x128xf32> to vector<8000x128xbf16>
    %dot_general3A = arith.constant dense<0.000000e+00> : vector<128x128xf32>
    %dot_general3A_16 = tpu.matmul %convert_element_type3A_7, %convert_element_type3A_15, %dot_general3A {dimension_numbers = #tpu.dot_dimension_numbers<[0], [0], [1], [1], [0, 1, 1, 1], [], []>, transpose_lhs_hint = false} : vector<8000x128xbf16>, vector<8000x128xbf16>, vector<128x128xf32> -> vector<128x128xf32>
    %eq3A_17 = arith.constant 0 : i32
    %eq3A_18 = arith.cmpi eq, %arg0, %eq3A_17 : i32
    %convert_element_type3A_19 = arith.extui %eq3A_18 : i1 to i32
    %cond3A = arith.constant 0 : i32
    %cond3A_20 = arith.cmpi ne, %convert_element_type3A_19, %cond3A : i32
    scf.if %cond3A_20 {
      %swap3A = arith.constant 0 : index
      %swap3A_25 = arith.constant 0 : index
      %swap3A_26 = vector.load %arg2[%swap3A, %swap3A_25] : memref<128x128xf32, #tpu.memory_space<vmem>>, vector<128x128xf32>
      tpu.vector_store %arg2[%swap3A, %swap3A_25], %dot_general3A_16 {strides = array<i32>} : memref<128x128xf32, #tpu.memory_space<vmem>>, vector<128x128xf32>,
    } else {
    }
    %gt3A = arith.constant 0 : i32
    %gt3A_21 = arith.cmpi sgt, %arg0, %gt3A : i32
    %convert_element_type3A_22 = arith.extui %gt3A_21 : i1 to i32
    %cond3A_23 = arith.constant 0 : i32
    %cond3A_24 = arith.cmpi ne, %convert_element_type3A_22, %cond3A_23 : i32
    scf.if %cond3A_24 {
      %get3A_25 = arith.constant 0 : index
      %get3A_26 = arith.constant 0 : index
      %get3A_27 = vector.load %arg2[%get3A_25, %get3A_26] : memref<128x128xf32, #tpu.memory_space<vmem>>, vector<128x128xf32>
      %add3A = arith.addf %get3A_27, %dot_general3A_16 : vector<128x128xf32>
      %swap3A = arith.constant 0 : index
      %swap3A_28 = arith.constant 0 : index
      %swap3A_29 = vector.load %arg2[%swap3A, %swap3A_28] : memref<128x128xf32, #tpu.memory_space<vmem>>, vector<128x128xf32>
      tpu.vector_store %arg2[%swap3A, %swap3A_28], %add3A {strides = array<i32>} : memref<128x128xf32, #tpu.memory_space<vmem>>, vector<128x128xf32>,
    } else {
    }
    return
  }
  func.func @transform_0(%arg0: i32) -> (i32, i32) {
    %c0_i32 = arith.constant 0 : i32
    %c0_i32_0 = arith.constant 0 : i32
    return %arg0, %c0_i32 : i32, i32
  }
  func.func @transform_1(%arg0: i32) -> (i32, i32) {
    %c0_i32 = arith.constant 0 : i32
    %c0_i32_0 = arith.constant 0 : i32
    %c0_i32_1 = arith.constant 0 : i32
    return %c0_i32, %c0_i32_0 : i32, i32
  }
}

module attributes {stable_mosaic.version = 14 : i64} {
  func.func @_mid_body(%arg0: i32, %arg1: memref<2x128x128xf32, #tpu.memory_space<vmem>>, %arg2: memref<1x1x128xf32, #tpu.memory_space<vmem>>, %arg3: memref<128x128xf32, #tpu.memory_space<vmem>>, %arg4: memref<128x128xf32, #tpu.memory_space<vmem>>, %arg5: memref<1x128xf32, #tpu.memory_space<vmem>>, %arg6: memref<128x64xf32, #tpu.memory_space<vmem>>, %arg7: memref<128x128xf32, #tpu.memory_space<vmem>>, %arg8: memref<128x128xf32, #tpu.memory_space<vmem>>) attributes {dimension_semantics = [#tpu.dimension_semantics<arbitrary>], iteration_bounds = array<i64: 79>, scalar_prefetch = 0 : i64, scratch_operands = 0 : i64, tpu.core_type = #tpu.core_type<tc>, window_params = [{transform_indices = @transform_0, window_bounds = array<i64: 2, 128, 128>}, {transform_indices = @transform_1, window_bounds = array<i64: 1, 1, 128>}, {transform_indices = @transform_2, window_bounds = array<i64: 128, 128>}, {pipeline_mode = #tpu.pipeline_mode<synchronous>, transform_indices = @transform_3, window_bounds = array<i64: 128, 128>}, {pipeline_mode = #tpu.pipeline_mode<synchronous>, transform_indices = @transform_4, window_bounds = array<i64: 1, 128>}, {pipeline_mode = #tpu.pipeline_mode<synchronous>, transform_indices = @transform_5, window_bounds = array<i64: 128, 64>}, {transform_indices = @transform_6, window_bounds = array<i64: 128, 128>}, {transform_indices = @transform_7, window_bounds = array<i64: 128, 128>}]} {
    %get3A = arith.constant 0 : index
    %get3A_0 = arith.constant 0 : index
    %get3A_1 = arith.constant 0 : index
    %get3A_2 = vector.load %arg1[%get3A, %get3A_0, %get3A_1] : memref<2x128x128xf32, #tpu.memory_space<vmem>>, vector<1x128x128xf32>
    %get3A_3 = vector.shape_cast %get3A_2 : vector<1x128x128xf32> to vector<128x128xf32>
    %get3A_4 = arith.constant 1 : index
    %get3A_5 = arith.constant 0 : index
    %get3A_6 = arith.constant 0 : index
    %get3A_7 = vector.load %arg1[%get3A_4, %get3A_5, %get3A_6] : memref<2x128x128xf32, #tpu.memory_space<vmem>>, vector<1x128x128xf32>
    %get3A_8 = vector.shape_cast %get3A_7 : vector<1x128x128xf32> to vector<128x128xf32>
    %add3A = arith.addf %get3A_3, %get3A_8 : vector<128x128xf32>
    %get3A_9 = arith.constant 0 : index
    %get3A_10 = arith.constant 0 : index
    %get3A_11 = arith.constant 0 : index
    %get3A_12 = vector.load %arg2[%get3A_9, %get3A_10, %get3A_11] : memref<1x1x128xf32, #tpu.memory_space<vmem>>, vector<1x1x128xf32>
    %get3A_13 = vector.shape_cast %get3A_12 : vector<1x1x128xf32> to vector<128xf32>
    %max3A = arith.constant 1.000000e+00 : f32
    %max3A_14 = vector.broadcast %max3A : f32 to vector<128xf32>
    %max3A_15 = arith.maximumf %get3A_13, %max3A_14 : vector<128xf32>
    %div3A = arith.constant 1.000000e+00 : f32
    %div3A_16 = vector.broadcast %div3A : f32 to vector<128xf32>
    %div3A_17 = arith.divf %div3A_16, %max3A_15 : vector<128xf32>
    %iota3A = tpu.iota {dimensions = array<i32: 0>} : vector<128x128xi32>
    %iota3A_18 = tpu.iota {dimensions = array<i32: 1>} : vector<128x128xi32>
    %add3A_19 = arith.constant 0 : i32
    %add3A_20 = vector.broadcast %add3A_19 : i32 to vector<128x128xi32>
    %add3A_21 = arith.addi %iota3A, %add3A_20 : vector<128x128xi32>
    %eq3A = arith.cmpi eq, %add3A_21, %iota3A_18 : vector<128x128xi32>
    %convert_element_type3A = arith.extui %eq3A : vector<128x128xi1> to vector<128x128xi32>
    %convert_element_type3A_22 = arith.sitofp %convert_element_type3A : vector<128x128xi32> to vector<128x128xf32>
    %broadcast_in_dim3A = vector.shape_cast %div3A_17 : vector<128xf32> to vector<1x128xf32>
    %mul3A = vector.broadcast %broadcast_in_dim3A : vector<1x128xf32> to vector<128x128xf32>
    %mul3A_23 = arith.mulf %convert_element_type3A_22, %mul3A : vector<128x128xf32>
    %dot_general3A = arith.constant dense<0.000000e+00> : vector<128x128xf32>
    %dot_general3A_24 = tpu.matmul %mul3A_23, %add3A, %dot_general3A {dimension_numbers = #tpu.dot_dimension_numbers<[1], [0], [0], [1], [0, 0, 1, 1], [], []>, transpose_lhs_hint = false} : vector<128x128xf32>, vector<128x128xf32>, vector<128x128xf32> -> vector<128x128xf32>
    %get3A_25 = arith.constant 0 : index
    %get3A_26 = arith.constant 0 : index
    %get3A_27 = vector.load %arg3[%get3A_25, %get3A_26] : memref<128x128xf32, #tpu.memory_space<vmem>>, vector<128x128xf32>
    %get3A_28 = arith.constant 0 : index
    %get3A_29 = arith.constant 0 : index
    %get3A_30 = vector.load %arg4[%get3A_28, %get3A_29] : memref<128x128xf32, #tpu.memory_space<vmem>>, vector<128x128xf32>
    %dot_general3A_31 = arith.constant dense<0.000000e+00> : vector<128x128xf32>
    %dot_general3A_32 = tpu.matmul %get3A_27, %get3A_30, %dot_general3A_31 {dimension_numbers = #tpu.dot_dimension_numbers<[1], [0], [0], [1], [0, 0, 1, 1], [], []>, transpose_lhs_hint = false} : vector<128x128xf32>, vector<128x128xf32>, vector<128x128xf32> -> vector<128x128xf32>
    %add3A_33 = arith.addf %dot_general3A_24, %dot_general3A_32 : vector<128x128xf32>
    %get3A_34 = arith.constant 0 : index
    %get3A_35 = arith.constant 0 : index
    %get3A_36 = vector.load %arg5[%get3A_34, %get3A_35] : memref<1x128xf32, #tpu.memory_space<vmem>>, vector<1x128xf32>
    %add3A_37 = vector.broadcast %get3A_36 : vector<1x128xf32> to vector<128x128xf32>
    %add3A_38 = arith.addf %add3A_33, %add3A_37 : vector<128x128xf32>
    %max3A_39 = arith.constant 0.000000e+00 : f32
    %max3A_40 = vector.broadcast %max3A_39 : f32 to vector<128x128xf32>
    %max3A_41 = arith.maximumf %add3A_38, %max3A_40 : vector<128x128xf32>
    %swap3A = arith.constant 0 : index
    %swap3A_42 = arith.constant 0 : index
    %swap3A_43 = vector.load %arg7[%swap3A, %swap3A_42] : memref<128x128xf32, #tpu.memory_space<vmem>>, vector<128x128xf32>
    tpu.vector_store %arg7[%swap3A, %swap3A_42], %max3A_41 {strides = array<i32>} : memref<128x128xf32, #tpu.memory_space<vmem>>, vector<128x128xf32>,
    %get3A_44 = arith.constant 0 : index
    %get3A_45 = arith.constant 0 : index
    %get3A_46 = vector.load %arg6[%get3A_44, %get3A_45] : memref<128x64xf32, #tpu.memory_space<vmem>>, vector<128x64xf32>
    %dot_general3A_47 = arith.constant dense<0.000000e+00> : vector<128x64xf32>
    %dot_general3A_48 = tpu.matmul %max3A_41, %get3A_46, %dot_general3A_47 {dimension_numbers = #tpu.dot_dimension_numbers<[1], [0], [0], [1], [0, 0, 1, 1], [], []>, transpose_lhs_hint = false} : vector<128x128xf32>, vector<128x64xf32>, vector<128x64xf32> -> vector<128x64xf32>
    %broadcast_in_dim3A_49 = arith.constant 0.000000e+00 : f32
    %broadcast_in_dim3A_50 = vector.broadcast %broadcast_in_dim3A_49 : f32 to vector<128x64xf32>
    %concatenate3A = tpu.concatenate %dot_general3A_48, %broadcast_in_dim3A_50 in 1 : vector<128x64xf32>, vector<128x64xf32> -> vector<128x128xf32>
    %swap3A_51 = arith.constant 0 : index
    %swap3A_52 = arith.constant 0 : index
    %swap3A_53 = vector.load %arg8[%swap3A_51, %swap3A_52] : memref<128x128xf32, #tpu.memory_space<vmem>>, vector<128x128xf32>
    tpu.vector_store %arg8[%swap3A_51, %swap3A_52], %concatenate3A {strides = array<i32>} : memref<128x128xf32, #tpu.memory_space<vmem>>, vector<128x128xf32>,
    return
  }
  func.func @transform_0(%arg0: i32) -> (i32, i32, i32) {
    %c0_i32 = arith.constant 0 : i32
    %c0_i32_0 = arith.constant 0 : i32
    %c0_i32_1 = arith.constant 0 : i32
    return %c0_i32, %arg0, %c0_i32_0 : i32, i32, i32
  }
  func.func @transform_1(%arg0: i32) -> (i32, i32, i32) {
    %c0_i32 = arith.constant 0 : i32
    %c0_i32_0 = arith.constant 0 : i32
    %c0_i32_1 = arith.constant 0 : i32
    return %arg0, %c0_i32, %c0_i32_0 : i32, i32, i32
  }
  func.func @transform_2(%arg0: i32) -> (i32, i32) {
    %c0_i32 = arith.constant 0 : i32
    %c0_i32_0 = arith.constant 0 : i32
    return %arg0, %c0_i32 : i32, i32
  }
  func.func @transform_3(%arg0: i32) -> (i32, i32) {
    %c0_i32 = arith.constant 0 : i32
    %c0_i32_0 = arith.constant 0 : i32
    %c0_i32_1 = arith.constant 0 : i32
    return %c0_i32, %c0_i32_0 : i32, i32
  }
  func.func @transform_4(%arg0: i32) -> (i32, i32) {
    %c0_i32 = arith.constant 0 : i32
    %c0_i32_0 = arith.constant 0 : i32
    %c0_i32_1 = arith.constant 0 : i32
    return %c0_i32, %c0_i32_0 : i32, i32
  }
  func.func @transform_5(%arg0: i32) -> (i32, i32) {
    %c0_i32 = arith.constant 0 : i32
    %c0_i32_0 = arith.constant 0 : i32
    %c0_i32_1 = arith.constant 0 : i32
    return %c0_i32, %c0_i32_0 : i32, i32
  }
  func.func @transform_6(%arg0: i32) -> (i32, i32) {
    %c0_i32 = arith.constant 0 : i32
    %c0_i32_0 = arith.constant 0 : i32
    return %arg0, %c0_i32 : i32, i32
  }
  func.func @transform_7(%arg0: i32) -> (i32, i32) {
    %c0_i32 = arith.constant 0 : i32
    %c0_i32_0 = arith.constant 0 : i32
    return %arg0, %c0_i32 : i32, i32
  }
}

module attributes {stable_mosaic.version = 14 : i64} {
  func.func @_out_body(%arg0: i32, %arg1: memref<2x128x128xf32, #tpu.memory_space<vmem>>, %arg2: memref<1x1x128xf32, #tpu.memory_space<vmem>>, %arg3: memref<128x128xf32, #tpu.memory_space<vmem>>, %arg4: memref<128x64xf32, #tpu.memory_space<vmem>>, %arg5: memref<1x64xf32, #tpu.memory_space<vmem>>, %arg6: memref<128x64xf32, #tpu.memory_space<vmem>>) attributes {dimension_semantics = [#tpu.dimension_semantics<arbitrary>], iteration_bounds = array<i64: 79>, scalar_prefetch = 0 : i64, scratch_operands = 0 : i64, tpu.core_type = #tpu.core_type<tc>, window_params = [{transform_indices = @transform_0, window_bounds = array<i64: 2, 128, 128>}, {transform_indices = @transform_1, window_bounds = array<i64: 1, 1, 128>}, {transform_indices = @transform_2, window_bounds = array<i64: 128, 128>}, {pipeline_mode = #tpu.pipeline_mode<synchronous>, transform_indices = @transform_3, window_bounds = array<i64: 128, 64>}, {pipeline_mode = #tpu.pipeline_mode<synchronous>, transform_indices = @transform_4, window_bounds = array<i64: 1, 64>}, {transform_indices = @transform_5, window_bounds = array<i64: 128, 64>}]} {
    %get3A = arith.constant 0 : index
    %get3A_0 = arith.constant 0 : index
    %get3A_1 = arith.constant 0 : index
    %get3A_2 = vector.load %arg1[%get3A, %get3A_0, %get3A_1] : memref<2x128x128xf32, #tpu.memory_space<vmem>>, vector<1x128x64xf32>
    %get3A_3 = vector.shape_cast %get3A_2 : vector<1x128x64xf32> to vector<128x64xf32>
    %get3A_4 = arith.constant 1 : index
    %get3A_5 = arith.constant 0 : index
    %get3A_6 = arith.constant 0 : index
    %get3A_7 = vector.load %arg1[%get3A_4, %get3A_5, %get3A_6] : memref<2x128x128xf32, #tpu.memory_space<vmem>>, vector<1x128x64xf32>
    %get3A_8 = vector.shape_cast %get3A_7 : vector<1x128x64xf32> to vector<128x64xf32>
    %add3A = arith.addf %get3A_3, %get3A_8 : vector<128x64xf32>
    %get3A_9 = arith.constant 0 : index
    %get3A_10 = arith.constant 0 : index
    %get3A_11 = arith.constant 0 : index
    %get3A_12 = vector.load %arg2[%get3A_9, %get3A_10, %get3A_11] : memref<1x1x128xf32, #tpu.memory_space<vmem>>, vector<1x1x128xf32>
    %get3A_13 = vector.shape_cast %get3A_12 : vector<1x1x128xf32> to vector<128xf32>
    %max3A = arith.constant 1.000000e+00 : f32
    %max3A_14 = vector.broadcast %max3A : f32 to vector<128xf32>
    %max3A_15 = arith.maximumf %get3A_13, %max3A_14 : vector<128xf32>
    %div3A = arith.constant 1.000000e+00 : f32
    %div3A_16 = vector.broadcast %div3A : f32 to vector<128xf32>
    %div3A_17 = arith.divf %div3A_16, %max3A_15 : vector<128xf32>
    %iota3A = tpu.iota {dimensions = array<i32: 0>} : vector<128x128xi32>
    %iota3A_18 = tpu.iota {dimensions = array<i32: 1>} : vector<128x128xi32>
    %add3A_19 = arith.constant 0 : i32
    %add3A_20 = vector.broadcast %add3A_19 : i32 to vector<128x128xi32>
    %add3A_21 = arith.addi %iota3A, %add3A_20 : vector<128x128xi32>
    %eq3A = arith.cmpi eq, %add3A_21, %iota3A_18 : vector<128x128xi32>
    %convert_element_type3A = arith.extui %eq3A : vector<128x128xi1> to vector<128x128xi32>
    %convert_element_type3A_22 = arith.sitofp %convert_element_type3A : vector<128x128xi32> to vector<128x128xf32>
    %broadcast_in_dim3A = vector.shape_cast %div3A_17 : vector<128xf32> to vector<1x128xf32>
    %mul3A = vector.broadcast %broadcast_in_dim3A : vector<1x128xf32> to vector<128x128xf32>
    %mul3A_23 = arith.mulf %convert_element_type3A_22, %mul3A : vector<128x128xf32>
    %dot_general3A = arith.constant dense<0.000000e+00> : vector<128x64xf32>
    %dot_general3A_24 = tpu.matmul %mul3A_23, %add3A, %dot_general3A {dimension_numbers = #tpu.dot_dimension_numbers<[1], [0], [0], [1], [0, 0, 1, 1], [], []>, transpose_lhs_hint = false} : vector<128x128xf32>, vector<128x64xf32>, vector<128x64xf32> -> vector<128x64xf32>
    %get3A_25 = arith.constant 0 : index
    %get3A_26 = arith.constant 0 : index
    %get3A_27 = vector.load %arg3[%get3A_25, %get3A_26] : memref<128x128xf32, #tpu.memory_space<vmem>>, vector<128x128xf32>
    %get3A_28 = arith.constant 0 : index
    %get3A_29 = arith.constant 0 : index
    %get3A_30 = vector.load %arg4[%get3A_28, %get3A_29] : memref<128x64xf32, #tpu.memory_space<vmem>>, vector<128x64xf32>
    %dot_general3A_31 = arith.constant dense<0.000000e+00> : vector<128x64xf32>
    %dot_general3A_32 = tpu.matmul %get3A_27, %get3A_30, %dot_general3A_31 {dimension_numbers = #tpu.dot_dimension_numbers<[1], [0], [0], [1], [0, 0, 1, 1], [], []>, transpose_lhs_hint = false} : vector<128x128xf32>, vector<128x64xf32>, vector<128x64xf32> -> vector<128x64xf32>
    %add3A_33 = arith.addf %dot_general3A_24, %dot_general3A_32 : vector<128x64xf32>
    %get3A_34 = arith.constant 0 : index
    %get3A_35 = arith.constant 0 : index
    %get3A_36 = vector.load %arg5[%get3A_34, %get3A_35] : memref<1x64xf32, #tpu.memory_space<vmem>>, vector<1x64xf32>
    %add3A_37 = vector.broadcast %get3A_36 : vector<1x64xf32> to vector<128x64xf32>
    %add3A_38 = arith.addf %add3A_33, %add3A_37 : vector<128x64xf32>
    %reduce_max3A = arith.constant dense<0xFF800000> : vector<128xf32>
    %reduce_max3A_39 = vector.multi_reduction <maximumf>, %add3A_38, %reduce_max3A [1] : vector<128x64xf32> to vector<128xf32>
    %broadcast_in_dim3A_40 = vector.shape_cast %reduce_max3A_39 : vector<128xf32> to vector<128x1xf32>
    %sub3A = vector.broadcast %broadcast_in_dim3A_40 : vector<128x1xf32> to vector<128x64xf32>
    %sub3A_41 = arith.subf %add3A_38, %sub3A : vector<128x64xf32>
    %exp3A = math.exp %sub3A_41 : vector<128x64xf32>
    %reduce_sum3A = arith.constant dense<0.000000e+00> : vector<128xf32>
    %reduce_sum3A_42 = vector.multi_reduction <add>, %exp3A, %reduce_sum3A [1] : vector<128x64xf32> to vector<128xf32>
    %broadcast_in_dim3A_43 = vector.shape_cast %reduce_sum3A_42 : vector<128xf32> to vector<128x1xf32>
    %log3A = math.log %broadcast_in_dim3A_43 : vector<128x1xf32>
    %add3A_44 = arith.addf %broadcast_in_dim3A_40, %log3A : vector<128x1xf32>
    %sub3A_45 = vector.broadcast %add3A_44 : vector<128x1xf32> to vector<128x64xf32>
    %sub3A_46 = arith.subf %add3A_38, %sub3A_45 : vector<128x64xf32>
    %swap3A = arith.constant 0 : index
    %swap3A_47 = arith.constant 0 : index
    %swap3A_48 = vector.load %arg6[%swap3A, %swap3A_47] : memref<128x64xf32, #tpu.memory_space<vmem>>, vector<128x64xf32>
    tpu.vector_store %arg6[%swap3A, %swap3A_47], %sub3A_46 {strides = array<i32>} : memref<128x64xf32, #tpu.memory_space<vmem>>, vector<128x64xf32>,
    return
  }
  func.func @transform_0(%arg0: i32) -> (i32, i32, i32) {
    %c0_i32 = arith.constant 0 : i32
    %c0_i32_0 = arith.constant 0 : i32
    %c0_i32_1 = arith.constant 0 : i32
    return %c0_i32, %arg0, %c0_i32_0 : i32, i32, i32
  }
  func.func @transform_1(%arg0: i32) -> (i32, i32, i32) {
    %c0_i32 = arith.constant 0 : i32
    %c0_i32_0 = arith.constant 0 : i32
    %c0_i32_1 = arith.constant 0 : i32
    return %arg0, %c0_i32, %c0_i32_0 : i32, i32, i32
  }
  func.func @transform_2(%arg0: i32) -> (i32, i32) {
    %c0_i32 = arith.constant 0 : i32
    %c0_i32_0 = arith.constant 0 : i32
    return %arg0, %c0_i32 : i32, i32
  }
  func.func @transform_3(%arg0: i32) -> (i32, i32) {
    %c0_i32 = arith.constant 0 : i32
    %c0_i32_0 = arith.constant 0 : i32
    %c0_i32_1 = arith.constant 0 : i32
    return %c0_i32, %c0_i32_0 : i32, i32
  }
  func.func @transform_4(%arg0: i32) -> (i32, i32) {
    %c0_i32 = arith.constant 0 : i32
    %c0_i32_0 = arith.constant 0 : i32
    %c0_i32_1 = arith.constant 0 : i32
    return %c0_i32, %c0_i32_0 : i32, i32
  }
  func.func @transform_5(%arg0: i32) -> (i32, i32) {
    %c0_i32 = arith.constant 0 : i32
    %c0_i32_0 = arith.constant 0 : i32
    return %arg0, %c0_i32 : i32, i32
  }
}

</mosaic_0001>

<sc_bundles>
// kernel: kernel.11.cloned.1.call-start
scs
__scs_entry_jumppad:
0x0: {  	(pc) =	sbr.rel $0x88, $3  }
0x1: {  	(tag) =	ssettag $0x0;
	lr =	simm.s32 $0x1  }
0x2: {  	[smem:$0x3F99] =	sst lr;
	_ =	strace $0xD0000000  }
0x3: {  	_ = 	snop  }
0x4: {  	_ = 	snop  }
0x5: {  	_ = 	snop  }
0x6: {  	_ = 	snop  }
0x7: {  	_ = 	snop  }
__scs_overlays_trampoline_lowered:
0x8: {  	[smem:$0x3FA8] =	sst s0  }
0x9: {  	[smem:$0x3FA9] =	sst s1  }
0xa: {  	[smem:$0x3FAA] =	sst s2  }
0xb: {  	[smem:$0x3FAB] =	sst s3  }
0xc: {  	[smem:$0x3FAC] =	sst s4  }
0xd: {  	[smem:$0x3FAD] =	sst s5  }
0xe: {  	[smem:$0x3FAE] =	sst s6  }
0xf: {  	[smem:$0x3FAF] =	sst s7  }
0x10: {  	[smem:$0x3FB0] =	sst s8  }
0x11: {  	[smem:$0x3FB1] =	sst s9;
	s0 =	simm.s32 @!p0 $0x0  }
0x12: {  	s1 =	sld [smem:$0x3F97];
	s0 =	simm.s32 @p0 $0x1  }
0x13: {  	[smem:$0x3FB2] =	sst s0;
	s0 =	simm.s32 @!p1 $0x0  }
0x14: {  	s2 =	sld [smem:$0x3F96];
	s0 =	simm.s32 @p1 $0x1  }
0x15: {  	[smem:$0x3FB3] =	sst s0;
	s0 =	simm.s32 @!p2 $0x0  }
0x16: {  	s3 =	sld [smem:$0x3FDB];
	s0 =	simm.s32 @p2 $0x1  }
0x17: {  	s4 =	simm.s32 $0x1BF5;
	[smem:$0x3FB5] =	sst s0  }
0x18: {  	s0 =	sld [smem:$0x3F98];
	_ =	swait.ge [sflag:s4], $0x0  }
0x19: {  	s7 =	sld [smem:$0x3F99]  }
0x1a: {  	s8 =	sadd.s32 $0xFFFFE003, lr  }
0x1b: {  	s9 =	sadd.s32 $0xFFFFFEF7, lr;
	s5 =	simm.s32 $0xFFFFFFFF;
	p2 =	slt.u32 s8, $0xFFFFF086  }
0x1c: {  	p1 =	slt.u32 s9, $0xF7A;
	s5 =	simm.s32 @!p2 $0x0  }
0x1d: {  	s5 =	simm.s32 @p1 $0x1;
	p0 =	seq.s32 s7, s2  }
0x1e: {  	s7 =	smul.u32 @!p0 $0xF7A, s2;
	p2 =	seq.s32 @!p0 s5, $0x0  }
0x1f: {  	s9 =	smul.u32 $0xF7A, s1;
	s8 =	simm.s32 @!p0 $0x1BF5;
	p2 =	por !p2, p0  }
0x20: {  	[sflag:s8] =	ssyncset.s32 @!p0 $0xFFFFF086;
	s6 =	sadd.s32 @!p0 s3, s7;
	s7 =	simm.s32 @!p0 $0x108  }
0x21: {  	s3 =	sadd.s32 s3, s9;
	s6 =	sadd.s32 @!p0 $0x88, s6;
	s7 =	simm.s32 @p2 $0x1082  }
0x22: {  	[simem:s7], [sflag:s8] =	dma.local @!p0 [hbm:s6], $0xF7A  }
0x23: {  	s9 =	sor.u32 $0xD0000000, s2;
	s6 =	simm.s32 $0x108;
	_ =	swait.ge @!p0 [sflag:s8], $0x0  }
0x24: {  	s3 =	sadd.s32 $0x88, s3;
	s6 =	simm.s32 @!p1 $0x1082;
	[sflag:s4] =	ssyncset.s32 $0xFFFFF086  }
0x25: {  	[simem:s6], [sflag:s4] =	dma.local [hbm:s3], $0xF7A  }
0x26: {  	[smem:$0x3F99] =	sst s1;
	(tag) =	ssettag s2;
	_ =	strace s9  }
0x27: {  	s1 =	sld [smem:$0x3FA9]  }
0x28: {  	s2 =	sld [smem:$0x3FAA]  }
0x29: {  	s4 =	sld [smem:$0x3FAC]  }
0x2a: {  	p0 =	seq.s32 s5, $0x0;
	s5 =	sld [smem:$0x3FAD]  }
0x2b: {  	s6 =	sld [smem:$0x3FAE]  }
0x2c: {  	s7 =	sld [smem:$0x3FAF]  }
0x2d: {  	s3 =	simm.s32 $0x108;
	s8 =	sld [smem:$0x3FB0]  }
0x2e: {  	s3 =	simm.s32 @!p0 $0x1082;
	s9 =	sld [smem:$0x3FB1]  }
0x2f: {  	lr =	sadd.s32 s0, s3;
	s0 =	sld [smem:$0x3FA8]  }
0x30: {  	s3 =	sld [smem:$0x3FAB]  }
0x31: {  	[smem:$0x3FB4] =	sst s10  }
0x32: {  	s10 =	sld [smem:$0x3FB2];
	_ =	sdelay $0x3  }
0x33: {  	p0 =	seq.s32 s10, $0x1;
	s10 =	sld [smem:$0x3FB4];
	_ =	sdelay $0x3  }
0x34: {  	[smem:$0x3FB4] =	sst s10  }
0x35: {  	s10 =	sld [smem:$0x3FB3];
	_ =	sdelay $0x3  }
0x36: {  	p1 =	seq.s32 s10, $0x1;
	s10 =	sld [smem:$0x3FB4];
	_ =	sdelay $0x3  }
0x37: {  	[smem:$0x3FB4] =	sst s10  }
0x38: {  	s10 =	sld [smem:$0x3FB5]  }
0x39: {  	_ = 	snop;
	(pc) =	sbr.ind lr, $3  }
0x3a: {  	_ = 	snop  }
0x3b: {  	_ = 	snop  }
0x3c: {  	p2 =	seq.s32 s10, $0x1;
	s10 =	sld [smem:$0x3FB4]  }
0x3d: {  	_ =	shalt  }
0x3e: {  	_ =	shalt  }
0x3f: {  	_ =	shalt  }
0x40: {  	_ =	shalt  }
0x41: {  	_ =	shalt  }
0x42: {  	_ =	shalt  }
0x43: {  	_ =	shalt  }
0x44: {  	_ =	shalt  }
0x45: {  	_ =	shalt  }
0x46: {  	_ =	shalt  }
0x47: {  	_ =	shalt  }
0x48: {  	_ =	shalt  }
0x49: {  	_ =	shalt  }
0x4a: {  	_ =	shalt  }
0x4b: {  	_ =	shalt  }
0x4c: {  	_ =	shalt  }
0x4d: {  	_ =	shalt  }
0x4e: {  	_ =	shalt  }
0x4f: {  	_ =	shalt  }
0x50: {  	_ =	shalt  }
0x51: {  	_ =	shalt  }
0x52: {  	_ =	shalt  }
0x53: {  	_ =	shalt  }
0x54: {  	_ =	shalt  }
0x55: {  	_ =	shalt  }
0x56: {  	_ =	shalt  }
0x57: {  	_ =	shalt  }
0x58: {  	_ =	shalt  }
0x59: {  	_ =	shalt  }
0x5a: {  	_ =	shalt  }
0x5b: {  	_ =	shalt  }
0x5c: {  	_ =	shalt  }
0x5d: {  	_ =	shalt  }
0x5e: {  	_ =	shalt  }
0x5f: {  	_ =	shalt  }
0x60: {  	_ =	shalt  }
0x61: {  	_ =	shalt  }
0x62: {  	_ =	shalt  }
0x63: {  	_ =	shalt  }
0x64: {  	_ =	shalt  }
0x65: {  	_ =	shalt  }
0x66: {  	_ =	shalt  }
0x67: {  	_ =	shalt  }
0x68: {  	_ =	shalt  }
0x69: {  	_ =	shalt  }
0x6a: {  	_ =	shalt  }
0x6b: {  	_ =	shalt  }
0x6c: {  	_ =	shalt  }
0x6d: {  	_ =	shalt  }
0x6e: {  	_ =	shalt  }
0x6f: {  	_ =	shalt  }
0x70: {  	_ =	shalt  }
0x71: {  	_ =	shalt  }
0x72: {  	_ =	shalt  }
0x73: {  	_ =	shalt  }
0x74: {  	_ =	shalt  }
0x75: {  	_ =	shalt  }
0x76: {  	_ =	shalt  }
0x77: {  	_ =	shalt  }
0x78: {  	_ =	shalt  }
0x79: {  	_ =	shalt  }
0x7a: {  	_ =	shalt  }
0x7b: {  	_ =	shalt  }
0x7c: {  	_ =	shalt  }
0x7d: {  	_ =	shalt  }
0x7e: {  	_ =	shalt  }
0x7f: {  	_ =	shalt  }
0x80: {  	_ =	shalt  }
0x81: {  	_ =	shalt  }
0x82: {  	_ =	shalt  }
0x83: {  	_ =	shalt  }
0x84: {  	_ =	shalt  }
0x85: {  	_ =	shalt  }
0x86: {  	_ =	shalt  }
0x87: {  	_ =	shalt  }
.Lfunc_end0:
.L_simem_size_0:
called_computation.1_lowered:
.L_overlay_start_0:
0x88: {  	s2 =	sld [smem:$0x3FD9]  }
0x89: {  	s3 =	sld [smem:$0x3FFE];
	_ =	sdelay $0x1  }
0x8a: {  	s1 =	srdreg.scid  }
0x8b: {  	s0 =	sand.u32 $0x1, s1  }
0x8c: {  	s17 =	sshll.u32 s0, $0xA;
	s2 =	sadd.s32 s3, s2  }
0x8d: {  	s2 =	sadd.s32 s2, s17  }
0x8e: {  	[smem:$0x3FC0] =	sst s2  }
0x8f: {  	_ = 	snop  }
0x90: {  	s2 =	sld [smem:$0x3FD0];
	(tm) =	ssettm $0x1  }
0x91: {  	s18 =	sld [smem:$0x3FFB];
	_ =	sdelay $0x3  }
0x92: {  	_ =	strace s18  }
0x93: {  	s3 =	sld [smem:$0x3FFC];
	_ =	sdelay $0x3  }
0x94: {  	_ =	strace s3  }
0x95: {  	s3 =	sld [smem:$0x3FFD];
	_ =	sdelay $0x3  }
0x96: {  	_ =	strace s3  }
0x97: {  	_ =	strace $0x8FFFFFFF  }
0x98: {  	s19 =	sld [smem:$0x3FDB];
	_ =	sdelay $0x1  }
0x99: {  	s4 =	simm.s32 $_scs_section_size  }
0x9a: {  	s5 =	simm.s32 $_size__tile_overlayer_lowered;
	s6 =	simm.s32 $_tile_overlayer_lowered  }
0x9b: {  	s22 =	simm.s32 $0x1BFF;
	s21 =	sshll.u32 s6, $0x1;
	s3 =	sadd.s32 s4, s19  }
0x9c: {  	s7 =	simm.s32 $0x0;
	s20 =	sshll.u32 s5, $0x1;
	s5 =	sadd.s32 s21, s3  }
0x9d: {  	[timem:s7], [sflag:s22] =	dma.local [hbm:s5], s20  }
0x9e: {  	_ =	swait.ge [sflag:s22], s20  }
0x9f: {  	s4 =	ssub.s32 $0x0, s20;
	[sflag:s22] =	ssyncset.done $0x0  }
0xa0: {  	[sflag:s22] =	ssyncadd.s32 s4;
	_ =	sdelay $0x1  }
0xa1: {  	s23 =	simm.s32 $0x1B8B  }
0xa2: {  	_ =	swait.ge [sflag:s23], $0x1  }
0xa3: {  	[sflag:s23] =	ssyncset.done $0x0  }
0xa4: {  	s25 =	simm.s32 $0x1B8E;
	s24 =	sld [smem:$0x3FFE];
	[sflag:s23] =	ssyncadd.s32 $0xFFFFFFFF  }
0xa5: {  	s26 =	simm.s32 $execute0_lowered;
	[smem:$0x3FD2] =	sst s25  }
0xa6: {  	s5 =	sshll.u32 s26, $0x1;
	_ =	strace $0x80000049;
	[dreg:$0x1] =	wrdreg $0xFFFFFFFF  }
0xa7: {  	s28 =	simm.s32 $_size_execute0_lowered;
	s3 =	sadd.s32 s3, s5;
	[dreg:$0x0] =	wrdreg $0x0  }
0xa8: {  	s5 =	sshll.u32 s28, $0x1;
	[dreg:$0x2] =	wrdreg s3  }
0xa9: {  	[dreg:$0x3] =	wrdreg s5  }
0xaa: {  	[dreg:$0x4] =	wrdreg $0xC0  }
0xab: {  	_ =	task [dreg:s7], $0x5FFFF  }
0xac: {  	[dreg:$0x1] =	wrdreg $0xFFFFFFFF  }
0xad: {  	[dreg:$0x0] =	wrdreg $0x60  }
0xae: {  	[dreg:$0x2] =	wrdreg s24  }
0xaf: {  	[dreg:$0x3] =	wrdreg s2  }
0xb0: {  	[dreg:$0x4] =	wrdreg $0x7B000  }
0xb1: {  	[dreg:$0x5] =	wrdreg $0x9  }
0xb2: {  	_ =	task.clear_ibuf [dreg:s7], $0x6FFFF;
	_ =	strace $0x90000049  }
0xb3: {  	s29 =	simm.s32 $0x9;
	_ =	strace $0x8000004B  }
0xb4: {  	_ =	swait.ge [sflag:s29], $0x1  }
0xb5: {  	[sflag:s29] =	ssyncadd.s32 $0xFFFFFFFF  }
0xb6: {  	_ =	strace $0x9000004B  }
0xb7: {  	_ =	sfence  }
0xb8: {  	s30 =	sld [smem:$0x0];
	_ =	sdelay $0x2  }
0xb9: {  	s31 =	sshll.u32 s1, $0xD;
	s1 =	sshrl.u32 s1, $0x2  }
0xba: {  	s3 =	sand.u32 $0x4000, s31;
	s1 =	sadd.s32 s1, s30  }
0xbb: {  	s0 =	sor.u32 s3, s0;
	s1 =	sshll.u32 s1, $0x11  }
0xbc: {  	s0 =	sor.u32 s1, s0  }
0xbd: {  	s0 =	sadd.s32 $0x8F2B, s0  }
0xbe: {  	[sflag:s0] =	ssyncadd.remote.s32 $0x1  }
0xbf: {  	_ =	sfence.sel $0xFFFF  }
0xc0: {  	[dreg:$0x0] =	wrdreg $0xFFFFFFFF;
	(pc) =	sbr.abs _section_cstart, $3  }
0xc1: {  	[dreg:$0x1] =	wrdreg $0xFFFFFFFF  }
0xc2: {  	_ =	task.clear_ibuf [dreg:s7], $0x2FFFF;
	_ =	strace $0x9FFFFFFF  }
0xc3: {  	(tm) =	ssettm $0x7FFFFFFF  }
tec
execute0_lowered:
.L_overlay_start_1:
0x0: {  	(tag) =	ssettag $0x1  }
0x1: {  	s0 =	rddreg [dreg:$0x0]  }
0x2: {  	s1 =	rddreg [dreg:$0x1]  }
0x3: {  	s3 =	rddreg [dreg:$0x2];
	s4 =	simm.s32 $0x0;
	s13 =	stileid.u32  }
0x4: {  	s5 =	srdreg.scid;
	s28 =	simm.s32 $0x1;
	s29 =	simm.s32 $0x50  }
0x5: {  	s30 =	simm.s32 $0x100;
	s31 =	simm.s32 $0x2;
	s2 =	smul.u32 $0x14000, s13  }
0x6: {  	[smem:$0x7FF] =	sst s4;
	s7 =	sand.u32 $0x1, s5;
	s10 =	smul.u32 $0x50000, s13  }
0x7: {  	s5 =	sadd.s32 $0xB400, s0;
	s6 =	sadd.s32 $0x1600, s0;
	s12 =	smul.u32 $0x2710, s13  }
0x8: {  	s13 =	sshll.u32 s13, $0x6;
	_ =	strace $0x8000004A;
	s9 =	smul.u32 $0x140000, s7  }
0x9: {  	s25 =	ssub.s32 $0x2, s7;
	s7 =	smul.u32 $0x27100, s7;
	s16 =	sor.u32 $0x1C07, s13  }
0xa: {  	s13 =	simm.s32 $0x6;
	s8 =	sshrl.u32 s2, $0x3;
	s11 =	sshrl.u32 s25, $0x1  }
0xb: {  	[dreg:$0x6] =	wrdreg s16;
	s8 =	sadd.s32 s8, s0;
	s2 =	sadd.s32 s2, s9  }
0xc: {  	s26 =	ssub.s32 s25, s11;
	s11 =	sshrl.u32 s10, $0x2;
	s7 =	sadd.s32 s12, s7  }
0xd: {  	s10 =	simm.s32 $0x5300;
	s12 =	simm.s32 $0x5;
	s2 =	sshrl.u32 s2, $0x3  }
0xe: {  	s9 =	sadd.s32 s11, s3;
	s8 =	sadd.s32 $0x32600, s8;
	s14 =	sshrl.u32 s7, $0x3  }
0xf: {  	s22 =	sadd.s32 $0x190, s7;
	s24 =	sadd.s32 $0x140, s7;
	[dreg:$0x4] =	wrdreg s9  }
0x10: {  	s11 =	simm.s32 $0x4;
	s0 =	sadd.s32 s2, s0;
	[dreg:$0x5] =	wrdreg s8  }
0x11: {  	s15 =	sadd.s32 s6, s14;
	s17 =	sadd.s32 s1, s14;
	s18 =	sadd.s32 $0xA, s14  }
0x12: {  	s8 =	sadd.s32 $0x14, s14;
	s23 =	sshrl.u32 s22, $0x3;
	[dreg:$0x7] =	wrdreg s15  }
0x13: {  	s2 =	smax.u32 s26, $0x1;
	s25 =	sshrl.u32 s24, $0x3;
	[dreg:$0x8] =	wrdreg s17  }
0x14: {  	s26 =	sadd.s32 $0xF0, s7;
	s24 =	simm.s32 $0x80;
	[dreg:$0xe] =	wrdreg s2  }
0x15: {  	s7 =	simm.s32 $0x5280;
	s19 =	sadd.s32 s6, s18;
	[dreg:$0xf] =	wrdreg s26  }
0x16: {  	s14 =	simm.s32 $0x0;
	s20 =	sadd.s32 s1, s18;
	[dreg:$0x9] =	wrdreg s19  }
0x17: {  	s21 =	sadd.s32 s6, s8;
	s8 =	sadd.s32 s1, s8;
	[dreg:$0xa] =	wrdreg s20  }
.Ltmp0:
0x18: {  	s0 =	sadd.s32 $0x5A600, s0;
	[dreg:$0xb] =	wrdreg s21;
	(pc) =	sbr.rel .LBB2_1-.Ltmp0, $4  }
0x19: {  	s18 =	sadd.s32 s23, s1;
	s26 =	simm.s32 $0x2980;
	[dreg:$0xc] =	wrdreg s8  }
0x1a: {  	s2 =	simm.s32 $0x5200;
	[dreg:$0xd] =	wrdreg s0;
	s19 =	sadd.s32 s23, s6  }
0x1b: {  	s20 =	sadd.s32 s25, s1;
	s21 =	sadd.s32 s25, s6;
	s23 =	simm.s32 $0x7  }
0x1c: {  	s25 =	simm.s32 $0x2900;
	s0 =	simm.s32 $0x2A00;
	s8 =	simm.s32 $0x3  }
.LBB2_4:
0x1d: {  	_ =	swait.ge [sflag:s11], $0x2800  }
0x1e: {  	[sflag:s11] =	ssyncset.done $0x0  }
0x1f: {  	[sflag:s11] =	ssyncadd.s32 $0xFFFFD800  }
0x20: {  	[spmem:s3] =	stream.indirect.scatter.add.f32 [tilespmem:s30], [sflag:$0x7], $0x80, s24, s29, $0xb8;
	[tilespmem:$0x1BB00] =	vst v63  }
0x21: {  	_ =	swait.ge [sflag:s23], $0x2800  }
0x22: {  	[sflag:s23] =	ssyncset.done $0x0  }
0x23: {  	[sflag:s23] =	ssyncadd.s32 $0xFFFFD800  }
0x24: {  	_ =	swait.ge [sflag:s12], $0x2800  }
0x25: {  	[sflag:s12] =	ssyncset.done $0x0  }
0x26: {  	[sflag:s12] =	ssyncadd.s32 $0xFFFFD800  }
0x27: {  	[spmem:s3] =	stream.indirect.scatter.add.f32 [tilespmem:s0], [sflag:$0x7], $0x80, s26, s29, $0xb8;
	[tilespmem:$0x1BB00] =	vst v63  }
0x28: {  	_ =	swait.ge [sflag:s23], $0x2800  }
0x29: {  	[sflag:s23] =	ssyncset.done $0x0  }
0x2a: {  	[sflag:s23] =	ssyncadd.s32 $0xFFFFD800  }
0x2b: {  	[bflag:$0x0] =	sbarrier.arrive $0xFFFF  }
0x2c: {  	s16 =	rddreg [dreg:$0x6]  }
0x2d: {  	s9 =	rddreg [dreg:$0xd]  }
0x2e: {  	[hbm:s9], [sflag:s16] =	dma.local [spmem:s15], $0x2800  }
0x2f: {  	_ =	swait.ge [sflag:s23], $0x2800  }
0x30: {  	s14 =	sadd.s32 $0x1, s14;
	s22 =	rddreg [dreg:$0xe]  }
0x31: {  	p0 =	sne.s32 s14, s22  }
.Ltmp1:
0x32: {  	_ = 	snop;
	(pc) =	sbr.rel @!p0 .LBB2_5-.Ltmp1, $3  }
0x33: {  	_ =	sdelay $0x1  }
0x34: {  	[sflag:s23] =	ssyncset.done $0x0  }
0x35: {  	[sflag:s23] =	ssyncadd.s32 $0xFFFFD800  }
.LBB2_1:
0x36: {  	s9 =	rddreg [dreg:$0x4]  }
0x37: {  	s22 =	rddreg [dreg:$0x5];
	s15 =	sshrl.u32 s9, $0x3  }
0x38: {  	[spmem:s15], [sflag:s16] =	dma.local [hbm:s22], $0x2800  }
0x39: {  	_ =	swait.ge [sflag:s23], $0x2800  }
0x3a: {  	[sflag:s23] =	ssyncset.done $0x0  }
0x3b: {  	s16 =	rddreg [dreg:$0x7];
	[sflag:s23] =	ssyncadd.s32 $0xFFFFD800  }
0x3c: {  	[tilespmem:s4], [sflag:$0x1] =	stream.linear.gather [hbm4b:s16+s4], $0x50, $0x38;
	[tilespmem:$0x1BB00] =	vst v63  }
0x3d: {  	s17 =	rddreg [dreg:$0x8]  }
0x3e: {  	[tilespmem:s24], [sflag:$0x1] =	stream.linear.gather [hbm4b:s17+s4], $0x50, $0x38;
	[tilespmem:$0x1BB00] =	vst v63  }
0x3f: {  	s22 =	rddreg [dreg:$0x9]  }
0x40: {  	[tilespmem:s25], [sflag:$0x2] =	stream.linear.gather [hbm4b:s22+s4], $0x50, $0x38;
	[tilespmem:$0x1BB00] =	vst v63  }
0x41: {  	s16 =	rddreg [dreg:$0xa]  }
0x42: {  	[tilespmem:s26], [sflag:$0x2] =	stream.linear.gather [hbm4b:s16+s4], $0x50, $0x38;
	[tilespmem:$0x1BB00] =	vst v63  }
0x43: {  	_ =	swait.ge [sflag:s28], $0x50  }
0x44: {  	[sflag:s28] =	ssyncset.done $0x0  }
0x45: {  	[sflag:s28] =	ssyncadd.s32 $0xFFFFFFB0  }
0x46: {  	_ =	swait.ge [sflag:s28], $0x50  }
0x47: {  	[sflag:s28] =	ssyncset.done $0x0  }
0x48: {  	[sflag:s28] =	ssyncadd.s32 $0xFFFFFFB0  }
0x49: {  	[tilespmem:s30], [sflag:$0x4] =	stream.indirect.gather [hbm4b:s5+s29], $0x80, s4, s29, $0xb8;
	[tilespmem:$0x1BB00] =	vst v63  }
0x4a: {  	_ =	swait.ge [sflag:s31], $0x50  }
0x4b: {  	[sflag:s31] =	ssyncset.done $0x0  }
0x4c: {  	[sflag:s31] =	ssyncadd.s32 $0xFFFFFFB0  }
0x4d: {  	_ =	swait.ge [sflag:s31], $0x50  }
0x4e: {  	[sflag:s31] =	ssyncset.done $0x0  }
0x4f: {  	[sflag:s31] =	ssyncadd.s32 $0xFFFFFFB0  }
0x50: {  	[tilespmem:s0], [sflag:$0x5] =	stream.indirect.gather [hbm4b:s5+s29], $0x80, s25, s29, $0xb8;
	[tilespmem:$0x1BB00] =	vst v63  }
0x51: {  	s17 =	rddreg [dreg:$0xb]  }
0x52: {  	[tilespmem:s2], [sflag:$0x3] =	stream.linear.gather [hbm4b:s17+s4], $0x50, $0x38;
	[tilespmem:$0x1BB00] =	vst v63  }
0x53: {  	s22 =	rddreg [dreg:$0xc]  }
0x54: {  	[tilespmem:s7], [sflag:$0x3] =	stream.linear.gather [hbm4b:s22+s4], $0x50, $0x38;
	[tilespmem:$0x1BB00] =	vst v63  }
0x55: {  	[bflag:$0x0] =	sbarrier.arrive $0xFFFF  }
0x56: {  	s17 =	simm.s32 $0x0;
	s22 =	rddreg [dreg:$0xf]  }
.LBB2_2:
0x57: {  	_ =	swait.ge [sflag:s8], $0x50  }
0x58: {  	[sflag:s8] =	ssyncset.done $0x0  }
0x59: {  	[sflag:s8] =	ssyncadd.s32 $0xFFFFFFB0  }
0x5a: {  	_ =	swait.ge [sflag:s8], $0x50  }
0x5b: {  	[sflag:s8] =	ssyncset.done $0x0  }
0x5c: {  	[sflag:s8] =	ssyncadd.s32 $0xFFFFFFB0  }
0x5d: {  	[tilespmem:s10], [sflag:$0x6] =	stream.indirect.gather [hbm4b:s5+s29], $0x80, s2, s29, $0xb8;
	[tilespmem:$0x1BB00] =	vst v63  }
0x5e: {  	_ =	swait.ge [sflag:s11], $0x2800  }
0x5f: {  	[sflag:s11] =	ssyncset.done $0x0  }
0x60: {  	[sflag:s11] =	ssyncadd.s32 $0xFFFFD800  }
0x61: {  	[spmem:s3] =	stream.indirect.scatter.add.f32 [tilespmem:s30], [sflag:$0x7], $0x80, s24, s29, $0xb8;
	[tilespmem:$0x1BB00] =	vst v63  }
0x62: {  	_ =	swait.ge [sflag:s23], $0x2800  }
0x63: {  	s16 =	sshrl.u32 s22, $0x3;
	[sflag:s23] =	ssyncset.done $0x0  }
0x64: {  	s9 =	sadd.s32 s6, s16;
	[sflag:s23] =	ssyncadd.s32 $0xFFFFD800  }
0x65: {  	[tilespmem:s4], [sflag:$0x1] =	stream.linear.gather [hbm4b:s9+s4], $0x50, $0x38;
	[tilespmem:$0x1BB00] =	vst v63  }
0x66: {  	s16 =	sadd.s32 s1, s16  }
0x67: {  	[tilespmem:s24], [sflag:$0x1] =	stream.linear.gather [hbm4b:s16+s4], $0x50, $0x38;
	[tilespmem:$0x1BB00] =	vst v63  }
0x68: {  	_ =	swait.ge [sflag:s28], $0x50  }
0x69: {  	[sflag:s28] =	ssyncset.done $0x0  }
0x6a: {  	[sflag:s28] =	ssyncadd.s32 $0xFFFFFFB0  }
0x6b: {  	_ =	swait.ge [sflag:s28], $0x50  }
0x6c: {  	[sflag:s28] =	ssyncset.done $0x0  }
0x6d: {  	[sflag:s28] =	ssyncadd.s32 $0xFFFFFFB0  }
0x6e: {  	[tilespmem:s30], [sflag:$0x4] =	stream.indirect.gather [hbm4b:s5+s29], $0x80, s4, s29, $0xb8;
	[tilespmem:$0x1BB00] =	vst v63  }
0x6f: {  	_ =	swait.ge [sflag:s12], $0x2800  }
0x70: {  	[sflag:s12] =	ssyncset.done $0x0  }
0x71: {  	[sflag:s12] =	ssyncadd.s32 $0xFFFFD800  }
0x72: {  	[spmem:s3] =	stream.indirect.scatter.add.f32 [tilespmem:s0], [sflag:$0x7], $0x80, s26, s29, $0xb8;
	[tilespmem:$0x1BB00] =	vst v63  }
0x73: {  	_ =	swait.ge [sflag:s23], $0x2800  }
0x74: {  	[sflag:s23] =	ssyncset.done $0x0  }
0x75: {  	s16 =	sadd.s32 s17, s21;
	[sflag:s23] =	ssyncadd.s32 $0xFFFFD800  }
0x76: {  	[tilespmem:s25], [sflag:$0x2] =	stream.linear.gather [hbm4b:s16+s4], $0x50, $0x38;
	[tilespmem:$0x1BB00] =	vst v63  }
0x77: {  	s16 =	sadd.s32 s17, s20  }
0x78: {  	[tilespmem:s26], [sflag:$0x2] =	stream.linear.gather [hbm4b:s16+s4], $0x50, $0x38;
	[tilespmem:$0x1BB00] =	vst v63  }
0x79: {  	_ =	swait.ge [sflag:s31], $0x50  }
0x7a: {  	[sflag:s31] =	ssyncset.done $0x0  }
0x7b: {  	[sflag:s31] =	ssyncadd.s32 $0xFFFFFFB0  }
0x7c: {  	_ =	swait.ge [sflag:s31], $0x50  }
0x7d: {  	[sflag:s31] =	ssyncset.done $0x0  }
0x7e: {  	[sflag:s31] =	ssyncadd.s32 $0xFFFFFFB0  }
0x7f: {  	[tilespmem:s0], [sflag:$0x5] =	stream.indirect.gather [hbm4b:s5+s29], $0x80, s25, s29, $0xb8;
	[tilespmem:$0x1BB00] =	vst v63  }
0x80: {  	_ =	swait.ge [sflag:s13], $0x2800  }
0x81: {  	p0 =	seq.s32 s17, $0x4B0;
	[sflag:s13] =	ssyncset.done $0x0  }
.Ltmp2:
0x82: {  	[sflag:s13] =	ssyncadd.s32 $0xFFFFD800;
	(pc) =	sbr.rel @p0 .LBB2_4-.Ltmp2, $4  }
0x83: {  	[spmem:s3] =	stream.indirect.scatter.add.f32 [tilespmem:s10], [sflag:$0x7], $0x80, s7, s29, $0xb8;
	[tilespmem:$0x1BB00] =	vst v63  }
0x84: {  	_ =	swait.ge [sflag:s23], $0x2800  }
0x85: {  	[sflag:s23] =	ssyncset.done $0x0  }
0x86: {  	[sflag:s23] =	ssyncadd.s32 $0xFFFFD800  }
.Ltmp3:
0x87: {  	(pc) =	sbr.rel .LBB2_2-.Ltmp3, $4  }
0x88: {  	s9 =	sadd.s32 s17, s19  }
0x89: {  	[tilespmem:s2], [sflag:$0x3] =	stream.linear.gather [hbm4b:s9+s4], $0x50, $0x38;
	[tilespmem:$0x1BB00] =	vst v63  }
0x8a: {  	s16 =	sadd.s32 s17, s18;
	s17 =	sadd.s32 $0x1E, s17;
	s22 =	sadd.s32 $0xF0, s22  }
0x8b: {  	[tilespmem:s7], [sflag:$0x3] =	stream.linear.gather [hbm4b:s16+s4], $0x50, $0x38;
	[tilespmem:$0x1BB00] =	vst v63  }
.LBB2_5:
0x8c: {  	_ =	sfence.sel $0x180000  }
0x8d: {  	[bflag:$0x0] =	sbarrier.arrive $0xFFFF  }
0x8e: {  	_ =	strace $0x9000004A  }
0x8f: {  	s0 =	stileid.u32;
	[bflag:$0x2] =	sbarrier.arrive $0xFFFF  }
0x90: {  	p0 =	sne.s32 s0, $0x0;
	s0 =	rddreg [dreg:$0x3]  }
0x91: {  	s0 =	sadd.s32 @!p0 $0x100000, s0  }
0x92: {  	[sflag:s0] =	ssyncadd.tile.s32 @!p0 $0x1;
	_ =	shalt  }
.Lfunc_end2:
_tile_overlayer_lowered:
.L_overlay_start_2:
0x93: {  	(tag) =	ssettag $0x2  }
0x94: {  	s0 =	rddreg [dreg:$0x0];
	s2 =	stileid.u32  }
0x95: {  	s1 =	rddreg [dreg:$0x1];
	p0 =	sne.s32 s2, $0x0  }
0x96: {  	s3 =	rddreg [dreg:$0x2];
	[bflag:$0x3] =	sbarrier.arrive $0xFFFF;
	s2 =	simm.s32 @!p0 $0x1C07  }
0x97: {  	[timem:s3], [sflag:s2] =	dma.local @!p0 [hbm:s0], s1  }
0x98: {  	s0 =	simm.s32 @!p0 $0x7  }
0x99: {  	_ =	swait.ge @!p0 [sflag:s0], s1  }
0x9a: {  	s1 =	ssub.s32 @!p0 $0x0, s1;
	[sflag:s0] =	ssyncset.done @!p0 $0x0  }
0x9b: {  	[sflag:s0] =	ssyncadd.s32 @!p0 s1  }
0x9c: {  	[bflag:$0x3] =	sbarrier.arrive $0xFFFF  }
0x9d: {  	_ =	shalt  }

// kernel: kernel.8.cloned.1.call-start
scs
__scs_entry_jumppad:
0x0: {  	(pc) =	sbr.rel $0x88, $3  }
0x1: {  	(tag) =	ssettag $0x0;
	lr =	simm.s32 $0x1  }
0x2: {  	[smem:$0x3F99] =	sst lr;
	_ =	strace $0xD0000000  }
0x3: {  	_ = 	snop  }
0x4: {  	_ = 	snop  }
0x5: {  	_ = 	snop  }
0x6: {  	_ = 	snop  }
0x7: {  	_ = 	snop  }
__scs_overlays_trampoline_lowered:
0x8: {  	[smem:$0x3FA8] =	sst s0  }
0x9: {  	[smem:$0x3FA9] =	sst s1  }
0xa: {  	[smem:$0x3FAA] =	sst s2  }
0xb: {  	[smem:$0x3FAB] =	sst s3  }
0xc: {  	[smem:$0x3FAC] =	sst s4  }
0xd: {  	[smem:$0x3FAD] =	sst s5  }
0xe: {  	[smem:$0x3FAE] =	sst s6  }
0xf: {  	[smem:$0x3FAF] =	sst s7  }
0x10: {  	[smem:$0x3FB0] =	sst s8  }
0x11: {  	[smem:$0x3FB1] =	sst s9;
	s0 =	simm.s32 @!p0 $0x0  }
0x12: {  	s1 =	sld [smem:$0x3F97];
	s0 =	simm.s32 @p0 $0x1  }
0x13: {  	[smem:$0x3FB2] =	sst s0;
	s0 =	simm.s32 @!p1 $0x0  }
0x14: {  	s2 =	sld [smem:$0x3F96];
	s0 =	simm.s32 @p1 $0x1  }
0x15: {  	[smem:$0x3FB3] =	sst s0;
	s0 =	simm.s32 @!p2 $0x0  }
0x16: {  	s3 =	sld [smem:$0x3FDB];
	s0 =	simm.s32 @p2 $0x1  }
0x17: {  	s4 =	simm.s32 $0x1BF5;
	[smem:$0x3FB5] =	sst s0  }
0x18: {  	s0 =	sld [smem:$0x3F98];
	_ =	swait.ge [sflag:s4], $0x0  }
0x19: {  	s7 =	sld [smem:$0x3F99]  }
0x1a: {  	s8 =	sadd.s32 $0xFFFFE003, lr  }
0x1b: {  	s9 =	sadd.s32 $0xFFFFFEF7, lr;
	s5 =	simm.s32 $0xFFFFFFFF;
	p2 =	slt.u32 s8, $0xFFFFF086  }
0x1c: {  	p1 =	slt.u32 s9, $0xF7A;
	s5 =	simm.s32 @!p2 $0x0  }
0x1d: {  	s5 =	simm.s32 @p1 $0x1;
	p0 =	seq.s32 s7, s2  }
0x1e: {  	s7 =	smul.u32 @!p0 $0xF7A, s2;
	p2 =	seq.s32 @!p0 s5, $0x0  }
0x1f: {  	s9 =	smul.u32 $0xF7A, s1;
	s8 =	simm.s32 @!p0 $0x1BF5;
	p2 =	por !p2, p0  }
0x20: {  	[sflag:s8] =	ssyncset.s32 @!p0 $0xFFFFF086;
	s6 =	sadd.s32 @!p0 s3, s7;
	s7 =	simm.s32 @!p0 $0x108  }
0x21: {  	s3 =	sadd.s32 s3, s9;
	s6 =	sadd.s32 @!p0 $0x88, s6;
	s7 =	simm.s32 @p2 $0x1082  }
0x22: {  	[simem:s7], [sflag:s8] =	dma.local @!p0 [hbm:s6], $0xF7A  }
0x23: {  	s9 =	sor.u32 $0xD0000000, s2;
	s6 =	simm.s32 $0x108;
	_ =	swait.ge @!p0 [sflag:s8], $0x0  }
0x24: {  	s3 =	sadd.s32 $0x88, s3;
	s6 =	simm.s32 @!p1 $0x1082;
	[sflag:s4] =	ssyncset.s32 $0xFFFFF086  }
0x25: {  	[simem:s6], [sflag:s4] =	dma.local [hbm:s3], $0xF7A  }
0x26: {  	[smem:$0x3F99] =	sst s1;
	(tag) =	ssettag s2;
	_ =	strace s9  }
0x27: {  	s1 =	sld [smem:$0x3FA9]  }
0x28: {  	s2 =	sld [smem:$0x3FAA]  }
0x29: {  	s4 =	sld [smem:$0x3FAC]  }
0x2a: {  	p0 =	seq.s32 s5, $0x0;
	s5 =	sld [smem:$0x3FAD]  }
0x2b: {  	s6 =	sld [smem:$0x3FAE]  }
0x2c: {  	s7 =	sld [smem:$0x3FAF]  }
0x2d: {  	s3 =	simm.s32 $0x108;
	s8 =	sld [smem:$0x3FB0]  }
0x2e: {  	s3 =	simm.s32 @!p0 $0x1082;
	s9 =	sld [smem:$0x3FB1]  }
0x2f: {  	lr =	sadd.s32 s0, s3;
	s0 =	sld [smem:$0x3FA8]  }
0x30: {  	s3 =	sld [smem:$0x3FAB]  }
0x31: {  	[smem:$0x3FB4] =	sst s10  }
0x32: {  	s10 =	sld [smem:$0x3FB2];
	_ =	sdelay $0x3  }
0x33: {  	p0 =	seq.s32 s10, $0x1;
	s10 =	sld [smem:$0x3FB4];
	_ =	sdelay $0x3  }
0x34: {  	[smem:$0x3FB4] =	sst s10  }
0x35: {  	s10 =	sld [smem:$0x3FB3];
	_ =	sdelay $0x3  }
0x36: {  	p1 =	seq.s32 s10, $0x1;
	s10 =	sld [smem:$0x3FB4];
	_ =	sdelay $0x3  }
0x37: {  	[smem:$0x3FB4] =	sst s10  }
0x38: {  	s10 =	sld [smem:$0x3FB5]  }
0x39: {  	_ = 	snop;
	(pc) =	sbr.ind lr, $3  }
0x3a: {  	_ = 	snop  }
0x3b: {  	_ = 	snop  }
0x3c: {  	p2 =	seq.s32 s10, $0x1;
	s10 =	sld [smem:$0x3FB4]  }
0x3d: {  	_ =	shalt  }
0x3e: {  	_ =	shalt  }
0x3f: {  	_ =	shalt  }
0x40: {  	_ =	shalt  }
0x41: {  	_ =	shalt  }
0x42: {  	_ =	shalt  }
0x43: {  	_ =	shalt  }
0x44: {  	_ =	shalt  }
0x45: {  	_ =	shalt  }
0x46: {  	_ =	shalt  }
0x47: {  	_ =	shalt  }
0x48: {  	_ =	shalt  }
0x49: {  	_ =	shalt  }
0x4a: {  	_ =	shalt  }
0x4b: {  	_ =	shalt  }
0x4c: {  	_ =	shalt  }
0x4d: {  	_ =	shalt  }
0x4e: {  	_ =	shalt  }
0x4f: {  	_ =	shalt  }
0x50: {  	_ =	shalt  }
0x51: {  	_ =	shalt  }
0x52: {  	_ =	shalt  }
0x53: {  	_ =	shalt  }
0x54: {  	_ =	shalt  }
0x55: {  	_ =	shalt  }
0x56: {  	_ =	shalt  }
0x57: {  	_ =	shalt  }
0x58: {  	_ =	shalt  }
0x59: {  	_ =	shalt  }
0x5a: {  	_ =	shalt  }
0x5b: {  	_ =	shalt  }
0x5c: {  	_ =	shalt  }
0x5d: {  	_ =	shalt  }
0x5e: {  	_ =	shalt  }
0x5f: {  	_ =	shalt  }
0x60: {  	_ =	shalt  }
0x61: {  	_ =	shalt  }
0x62: {  	_ =	shalt  }
0x63: {  	_ =	shalt  }
0x64: {  	_ =	shalt  }
0x65: {  	_ =	shalt  }
0x66: {  	_ =	shalt  }
0x67: {  	_ =	shalt  }
0x68: {  	_ =	shalt  }
0x69: {  	_ =	shalt  }
0x6a: {  	_ =	shalt  }
0x6b: {  	_ =	shalt  }
0x6c: {  	_ =	shalt  }
0x6d: {  	_ =	shalt  }
0x6e: {  	_ =	shalt  }
0x6f: {  	_ =	shalt  }
0x70: {  	_ =	shalt  }
0x71: {  	_ =	shalt  }
0x72: {  	_ =	shalt  }
0x73: {  	_ =	shalt  }
0x74: {  	_ =	shalt  }
0x75: {  	_ =	shalt  }
0x76: {  	_ =	shalt  }
0x77: {  	_ =	shalt  }
0x78: {  	_ =	shalt  }
0x79: {  	_ =	shalt  }
0x7a: {  	_ =	shalt  }
0x7b: {  	_ =	shalt  }
0x7c: {  	_ =	shalt  }
0x7d: {  	_ =	shalt  }
0x7e: {  	_ =	shalt  }
0x7f: {  	_ =	shalt  }
0x80: {  	_ =	shalt  }
0x81: {  	_ =	shalt  }
0x82: {  	_ =	shalt  }
0x83: {  	_ =	shalt  }
0x84: {  	_ =	shalt  }
0x85: {  	_ =	shalt  }
0x86: {  	_ =	shalt  }
0x87: {  	_ =	shalt  }
.Lfunc_end0:
.L_simem_size_0:
called_computation_lowered:
.L_overlay_start_0:
0x88: {  	s2 =	sld [smem:$0x3FD9]  }
0x89: {  	s3 =	sld [smem:$0x3FFE];
	_ =	sdelay $0x1  }
0x8a: {  	s1 =	srdreg.scid  }
0x8b: {  	s0 =	sand.u32 $0x1, s1  }
0x8c: {  	s17 =	sshll.u32 s0, $0xA;
	s2 =	sadd.s32 s3, s2  }
0x8d: {  	s2 =	sadd.s32 s2, s17  }
0x8e: {  	[smem:$0x3FC0] =	sst s2  }
0x8f: {  	_ = 	snop  }
0x90: {  	s2 =	sld [smem:$0x3FD0];
	(tm) =	ssettm $0x1  }
0x91: {  	s18 =	sld [smem:$0x3FFB];
	_ =	sdelay $0x3  }
0x92: {  	_ =	strace s18  }
0x93: {  	s3 =	sld [smem:$0x3FFC];
	_ =	sdelay $0x3  }
0x94: {  	_ =	strace s3  }
0x95: {  	s3 =	sld [smem:$0x3FFD];
	_ =	sdelay $0x3  }
0x96: {  	_ =	strace s3  }
0x97: {  	_ =	strace $0x8FFFFFFF  }
0x98: {  	s19 =	sld [smem:$0x3FDB];
	_ =	sdelay $0x1  }
0x99: {  	s4 =	simm.s32 $_scs_section_size  }
0x9a: {  	s5 =	simm.s32 $_size__tile_overlayer_lowered;
	s6 =	simm.s32 $_tile_overlayer_lowered  }
0x9b: {  	s22 =	simm.s32 $0x1BFF;
	s21 =	sshll.u32 s6, $0x1;
	s3 =	sadd.s32 s4, s19  }
0x9c: {  	s7 =	simm.s32 $0x0;
	s20 =	sshll.u32 s5, $0x1;
	s5 =	sadd.s32 s21, s3  }
0x9d: {  	[timem:s7], [sflag:s22] =	dma.local [hbm:s5], s20  }
0x9e: {  	_ =	swait.ge [sflag:s22], s20  }
0x9f: {  	s4 =	ssub.s32 $0x0, s20;
	[sflag:s22] =	ssyncset.done $0x0  }
0xa0: {  	[sflag:s22] =	ssyncadd.s32 s4;
	_ =	sdelay $0x1  }
0xa1: {  	s23 =	simm.s32 $0x1B8B  }
0xa2: {  	_ =	swait.ge [sflag:s23], $0x1  }
0xa3: {  	[sflag:s23] =	ssyncset.done $0x0  }
0xa4: {  	s25 =	simm.s32 $0x1B8E;
	s24 =	sld [smem:$0x3FFE];
	[sflag:s23] =	ssyncadd.s32 $0xFFFFFFFF  }
0xa5: {  	s26 =	simm.s32 $execute0_lowered;
	[smem:$0x3FD2] =	sst s25  }
0xa6: {  	s5 =	sshll.u32 s26, $0x1;
	_ =	strace $0x80000046;
	[dreg:$0x1] =	wrdreg $0xFFFFFFFF  }
0xa7: {  	s28 =	simm.s32 $_size_execute0_lowered;
	s3 =	sadd.s32 s3, s5;
	[dreg:$0x0] =	wrdreg $0x0  }
0xa8: {  	s5 =	sshll.u32 s28, $0x1;
	[dreg:$0x2] =	wrdreg s3  }
0xa9: {  	[dreg:$0x3] =	wrdreg s5  }
0xaa: {  	[dreg:$0x4] =	wrdreg $0xC0  }
0xab: {  	_ =	task [dreg:s7], $0x5FFFF  }
0xac: {  	[dreg:$0x1] =	wrdreg $0xFFFFFFFF  }
0xad: {  	[dreg:$0x0] =	wrdreg $0x60  }
0xae: {  	[dreg:$0x2] =	wrdreg s24  }
0xaf: {  	[dreg:$0x3] =	wrdreg s2  }
0xb0: {  	[dreg:$0x4] =	wrdreg $0x7B000  }
0xb1: {  	[dreg:$0x5] =	wrdreg $0x9  }
0xb2: {  	_ =	task.clear_ibuf [dreg:s7], $0x6FFFF;
	_ =	strace $0x90000046  }
0xb3: {  	s29 =	simm.s32 $0x9;
	_ =	strace $0x80000048  }
0xb4: {  	_ =	swait.ge [sflag:s29], $0x1  }
0xb5: {  	[sflag:s29] =	ssyncadd.s32 $0xFFFFFFFF  }
0xb6: {  	_ =	strace $0x90000048  }
0xb7: {  	_ =	sfence  }
0xb8: {  	s30 =	sld [smem:$0x0];
	_ =	sdelay $0x2  }
0xb9: {  	s31 =	sshll.u32 s1, $0xD;
	s1 =	sshrl.u32 s1, $0x2  }
0xba: {  	s3 =	sand.u32 $0x4000, s31;
	s1 =	sadd.s32 s1, s30  }
0xbb: {  	s0 =	sor.u32 s3, s0;
	s1 =	sshll.u32 s1, $0x11  }
0xbc: {  	s0 =	sor.u32 s1, s0  }
0xbd: {  	s0 =	sadd.s32 $0x8F2B, s0  }
0xbe: {  	[sflag:s0] =	ssyncadd.remote.s32 $0x1  }
0xbf: {  	_ =	sfence.sel $0xFFFF  }
0xc0: {  	[dreg:$0x0] =	wrdreg $0xFFFFFFFF;
	(pc) =	sbr.abs _section_cstart, $3  }
0xc1: {  	[dreg:$0x1] =	wrdreg $0xFFFFFFFF  }
0xc2: {  	_ =	task.clear_ibuf [dreg:s7], $0x2FFFF;
	_ =	strace $0x9FFFFFFF  }
0xc3: {  	(tm) =	ssettm $0x7FFFFFFF  }
tec
execute0_lowered:
.L_overlay_start_1:
0x0: {  	(tag) =	ssettag $0x1  }
0x1: {  	s0 =	rddreg [dreg:$0x0]  }
0x2: {  	s1 =	rddreg [dreg:$0x1]  }
0x3: {  	s3 =	rddreg [dreg:$0x2];
	s4 =	simm.s32 $0x0;
	s13 =	stileid.u32  }
0x4: {  	s5 =	srdreg.scid;
	s28 =	simm.s32 $0x1;
	s29 =	simm.s32 $0x50  }
0x5: {  	s30 =	simm.s32 $0x100;
	s31 =	simm.s32 $0x2;
	s2 =	smul.u32 $0x14000, s13  }
0x6: {  	[smem:$0x7FF] =	sst s4;
	s7 =	sand.u32 $0x1, s5;
	s10 =	smul.u32 $0x50000, s13  }
0x7: {  	s5 =	sadd.s32 $0xB400, s0;
	s6 =	sadd.s32 $0x1600, s0;
	s12 =	smul.u32 $0x2710, s13  }
0x8: {  	s13 =	sshll.u32 s13, $0x6;
	_ =	strace $0x80000047;
	s9 =	smul.u32 $0x140000, s7  }
0x9: {  	s25 =	ssub.s32 $0x2, s7;
	s7 =	smul.u32 $0x27100, s7;
	s16 =	sor.u32 $0x1C07, s13  }
0xa: {  	s13 =	simm.s32 $0x6;
	s8 =	sshrl.u32 s2, $0x3;
	s11 =	sshrl.u32 s25, $0x1  }
0xb: {  	[dreg:$0x6] =	wrdreg s16;
	s8 =	sadd.s32 s8, s0;
	s2 =	sadd.s32 s2, s9  }
0xc: {  	s26 =	ssub.s32 s25, s11;
	s11 =	sshrl.u32 s10, $0x2;
	s7 =	sadd.s32 s12, s7  }
0xd: {  	s10 =	simm.s32 $0x5300;
	s12 =	simm.s32 $0x5;
	s2 =	sshrl.u32 s2, $0x3  }
0xe: {  	s9 =	sadd.s32 s11, s3;
	s8 =	sadd.s32 $0x32600, s8;
	s14 =	sshrl.u32 s7, $0x3  }
0xf: {  	s22 =	sadd.s32 $0x190, s7;
	s24 =	sadd.s32 $0x140, s7;
	[dreg:$0x4] =	wrdreg s9  }
0x10: {  	s11 =	simm.s32 $0x4;
	s0 =	sadd.s32 s2, s0;
	[dreg:$0x5] =	wrdreg s8  }
0x11: {  	s15 =	sadd.s32 s6, s14;
	s17 =	sadd.s32 s1, s14;
	s18 =	sadd.s32 $0xA, s14  }
0x12: {  	s8 =	sadd.s32 $0x14, s14;
	s23 =	sshrl.u32 s22, $0x3;
	[dreg:$0x7] =	wrdreg s15  }
0x13: {  	s2 =	smax.u32 s26, $0x1;
	s25 =	sshrl.u32 s24, $0x3;
	[dreg:$0x8] =	wrdreg s17  }
0x14: {  	s26 =	sadd.s32 $0xF0, s7;
	s24 =	simm.s32 $0x80;
	[dreg:$0xe] =	wrdreg s2  }
0x15: {  	s7 =	simm.s32 $0x5280;
	s19 =	sadd.s32 s6, s18;
	[dreg:$0xf] =	wrdreg s26  }
0x16: {  	s14 =	simm.s32 $0x0;
	s20 =	sadd.s32 s1, s18;
	[dreg:$0x9] =	wrdreg s19  }
0x17: {  	s21 =	sadd.s32 s6, s8;
	s8 =	sadd.s32 s1, s8;
	[dreg:$0xa] =	wrdreg s20  }
.Ltmp0:
0x18: {  	s0 =	sadd.s32 $0x5A600, s0;
	[dreg:$0xb] =	wrdreg s21;
	(pc) =	sbr.rel .LBB2_1-.Ltmp0, $4  }
0x19: {  	s18 =	sadd.s32 s23, s1;
	s26 =	simm.s32 $0x2980;
	[dreg:$0xc] =	wrdreg s8  }
0x1a: {  	s2 =	simm.s32 $0x5200;
	[dreg:$0xd] =	wrdreg s0;
	s19 =	sadd.s32 s23, s6  }
0x1b: {  	s20 =	sadd.s32 s25, s1;
	s21 =	sadd.s32 s25, s6;
	s23 =	simm.s32 $0x7  }
0x1c: {  	s25 =	simm.s32 $0x2900;
	s0 =	simm.s32 $0x2A00;
	s8 =	simm.s32 $0x3  }
.LBB2_4:
0x1d: {  	_ =	swait.ge [sflag:s11], $0x2800  }
0x1e: {  	[sflag:s11] =	ssyncset.done $0x0  }
0x1f: {  	[sflag:s11] =	ssyncadd.s32 $0xFFFFD800  }
0x20: {  	[spmem:s3] =	stream.indirect.scatter.add.f32 [tilespmem:s30], [sflag:$0x7], $0x80, s24, s29, $0xb8;
	[tilespmem:$0x1BB00] =	vst v63  }
0x21: {  	_ =	swait.ge [sflag:s23], $0x2800  }
0x22: {  	[sflag:s23] =	ssyncset.done $0x0  }
0x23: {  	[sflag:s23] =	ssyncadd.s32 $0xFFFFD800  }
0x24: {  	_ =	swait.ge [sflag:s12], $0x2800  }
0x25: {  	[sflag:s12] =	ssyncset.done $0x0  }
0x26: {  	[sflag:s12] =	ssyncadd.s32 $0xFFFFD800  }
0x27: {  	[spmem:s3] =	stream.indirect.scatter.add.f32 [tilespmem:s0], [sflag:$0x7], $0x80, s26, s29, $0xb8;
	[tilespmem:$0x1BB00] =	vst v63  }
0x28: {  	_ =	swait.ge [sflag:s23], $0x2800  }
0x29: {  	[sflag:s23] =	ssyncset.done $0x0  }
0x2a: {  	[sflag:s23] =	ssyncadd.s32 $0xFFFFD800  }
0x2b: {  	[bflag:$0x0] =	sbarrier.arrive $0xFFFF  }
0x2c: {  	s16 =	rddreg [dreg:$0x6]  }
0x2d: {  	s9 =	rddreg [dreg:$0xd]  }
0x2e: {  	[hbm:s9], [sflag:s16] =	dma.local [spmem:s15], $0x2800  }
0x2f: {  	_ =	swait.ge [sflag:s23], $0x2800  }
0x30: {  	s14 =	sadd.s32 $0x1, s14;
	s22 =	rddreg [dreg:$0xe]  }
0x31: {  	p0 =	sne.s32 s14, s22  }
.Ltmp1:
0x32: {  	_ = 	snop;
	(pc) =	sbr.rel @!p0 .LBB2_5-.Ltmp1, $3  }
0x33: {  	_ =	sdelay $0x1  }
0x34: {  	[sflag:s23] =	ssyncset.done $0x0  }
0x35: {  	[sflag:s23] =	ssyncadd.s32 $0xFFFFD800  }
.LBB2_1:
0x36: {  	s9 =	rddreg [dreg:$0x4]  }
0x37: {  	s22 =	rddreg [dreg:$0x5];
	s15 =	sshrl.u32 s9, $0x3  }
0x38: {  	[spmem:s15], [sflag:s16] =	dma.local [hbm:s22], $0x2800  }
0x39: {  	_ =	swait.ge [sflag:s23], $0x2800  }
0x3a: {  	[sflag:s23] =	ssyncset.done $0x0  }
0x3b: {  	s16 =	rddreg [dreg:$0x7];
	[sflag:s23] =	ssyncadd.s32 $0xFFFFD800  }
0x3c: {  	[tilespmem:s4], [sflag:$0x1] =	stream.linear.gather [hbm4b:s16+s4], $0x50, $0x38;
	[tilespmem:$0x1BB00] =	vst v63  }
0x3d: {  	s17 =	rddreg [dreg:$0x8]  }
0x3e: {  	[tilespmem:s24], [sflag:$0x1] =	stream.linear.gather [hbm4b:s17+s4], $0x50, $0x38;
	[tilespmem:$0x1BB00] =	vst v63  }
0x3f: {  	s22 =	rddreg [dreg:$0x9]  }
0x40: {  	[tilespmem:s25], [sflag:$0x2] =	stream.linear.gather [hbm4b:s22+s4], $0x50, $0x38;
	[tilespmem:$0x1BB00] =	vst v63  }
0x41: {  	s16 =	rddreg [dreg:$0xa]  }
0x42: {  	[tilespmem:s26], [sflag:$0x2] =	stream.linear.gather [hbm4b:s16+s4], $0x50, $0x38;
	[tilespmem:$0x1BB00] =	vst v63  }
0x43: {  	_ =	swait.ge [sflag:s28], $0x50  }
0x44: {  	[sflag:s28] =	ssyncset.done $0x0  }
0x45: {  	[sflag:s28] =	ssyncadd.s32 $0xFFFFFFB0  }
0x46: {  	_ =	swait.ge [sflag:s28], $0x50  }
0x47: {  	[sflag:s28] =	ssyncset.done $0x0  }
0x48: {  	[sflag:s28] =	ssyncadd.s32 $0xFFFFFFB0  }
0x49: {  	[tilespmem:s30], [sflag:$0x4] =	stream.indirect.gather [hbm4b:s5+s29], $0x80, s4, s29, $0xb8;
	[tilespmem:$0x1BB00] =	vst v63  }
0x4a: {  	_ =	swait.ge [sflag:s31], $0x50  }
0x4b: {  	[sflag:s31] =	ssyncset.done $0x0  }
0x4c: {  	[sflag:s31] =	ssyncadd.s32 $0xFFFFFFB0  }
0x4d: {  	_ =	swait.ge [sflag:s31], $0x50  }
0x4e: {  	[sflag:s31] =	ssyncset.done $0x0  }
0x4f: {  	[sflag:s31] =	ssyncadd.s32 $0xFFFFFFB0  }
0x50: {  	[tilespmem:s0], [sflag:$0x5] =	stream.indirect.gather [hbm4b:s5+s29], $0x80, s25, s29, $0xb8;
	[tilespmem:$0x1BB00] =	vst v63  }
0x51: {  	s17 =	rddreg [dreg:$0xb]  }
0x52: {  	[tilespmem:s2], [sflag:$0x3] =	stream.linear.gather [hbm4b:s17+s4], $0x50, $0x38;
	[tilespmem:$0x1BB00] =	vst v63  }
0x53: {  	s22 =	rddreg [dreg:$0xc]  }
0x54: {  	[tilespmem:s7], [sflag:$0x3] =	stream.linear.gather [hbm4b:s22+s4], $0x50, $0x38;
	[tilespmem:$0x1BB00] =	vst v63  }
0x55: {  	[bflag:$0x0] =	sbarrier.arrive $0xFFFF  }
0x56: {  	s17 =	simm.s32 $0x0;
	s22 =	rddreg [dreg:$0xf]  }
.LBB2_2:
0x57: {  	_ =	swait.ge [sflag:s8], $0x50  }
0x58: {  	[sflag:s8] =	ssyncset.done $0x0  }
0x59: {  	[sflag:s8] =	ssyncadd.s32 $0xFFFFFFB0  }
0x5a: {  	_ =	swait.ge [sflag:s8], $0x50  }
0x5b: {  	[sflag:s8] =	ssyncset.done $0x0  }
0x5c: {  	[sflag:s8] =	ssyncadd.s32 $0xFFFFFFB0  }
0x5d: {  	[tilespmem:s10], [sflag:$0x6] =	stream.indirect.gather [hbm4b:s5+s29], $0x80, s2, s29, $0xb8;
	[tilespmem:$0x1BB00] =	vst v63  }
0x5e: {  	_ =	swait.ge [sflag:s11], $0x2800  }
0x5f: {  	[sflag:s11] =	ssyncset.done $0x0  }
0x60: {  	[sflag:s11] =	ssyncadd.s32 $0xFFFFD800  }
0x61: {  	[spmem:s3] =	stream.indirect.scatter.add.f32 [tilespmem:s30], [sflag:$0x7], $0x80, s24, s29, $0xb8;
	[tilespmem:$0x1BB00] =	vst v63  }
0x62: {  	_ =	swait.ge [sflag:s23], $0x2800  }
0x63: {  	s16 =	sshrl.u32 s22, $0x3;
	[sflag:s23] =	ssyncset.done $0x0  }
0x64: {  	s9 =	sadd.s32 s6, s16;
	[sflag:s23] =	ssyncadd.s32 $0xFFFFD800  }
0x65: {  	[tilespmem:s4], [sflag:$0x1] =	stream.linear.gather [hbm4b:s9+s4], $0x50, $0x38;
	[tilespmem:$0x1BB00] =	vst v63  }
0x66: {  	s16 =	sadd.s32 s1, s16  }
0x67: {  	[tilespmem:s24], [sflag:$0x1] =	stream.linear.gather [hbm4b:s16+s4], $0x50, $0x38;
	[tilespmem:$0x1BB00] =	vst v63  }
0x68: {  	_ =	swait.ge [sflag:s28], $0x50  }
0x69: {  	[sflag:s28] =	ssyncset.done $0x0  }
0x6a: {  	[sflag:s28] =	ssyncadd.s32 $0xFFFFFFB0  }
0x6b: {  	_ =	swait.ge [sflag:s28], $0x50  }
0x6c: {  	[sflag:s28] =	ssyncset.done $0x0  }
0x6d: {  	[sflag:s28] =	ssyncadd.s32 $0xFFFFFFB0  }
0x6e: {  	[tilespmem:s30], [sflag:$0x4] =	stream.indirect.gather [hbm4b:s5+s29], $0x80, s4, s29, $0xb8;
	[tilespmem:$0x1BB00] =	vst v63  }
0x6f: {  	_ =	swait.ge [sflag:s12], $0x2800  }
0x70: {  	[sflag:s12] =	ssyncset.done $0x0  }
0x71: {  	[sflag:s12] =	ssyncadd.s32 $0xFFFFD800  }
0x72: {  	[spmem:s3] =	stream.indirect.scatter.add.f32 [tilespmem:s0], [sflag:$0x7], $0x80, s26, s29, $0xb8;
	[tilespmem:$0x1BB00] =	vst v63  }
0x73: {  	_ =	swait.ge [sflag:s23], $0x2800  }
0x74: {  	[sflag:s23] =	ssyncset.done $0x0  }
0x75: {  	s16 =	sadd.s32 s17, s21;
	[sflag:s23] =	ssyncadd.s32 $0xFFFFD800  }
0x76: {  	[tilespmem:s25], [sflag:$0x2] =	stream.linear.gather [hbm4b:s16+s4], $0x50, $0x38;
	[tilespmem:$0x1BB00] =	vst v63  }
0x77: {  	s16 =	sadd.s32 s17, s20  }
0x78: {  	[tilespmem:s26], [sflag:$0x2] =	stream.linear.gather [hbm4b:s16+s4], $0x50, $0x38;
	[tilespmem:$0x1BB00] =	vst v63  }
0x79: {  	_ =	swait.ge [sflag:s31], $0x50  }
0x7a: {  	[sflag:s31] =	ssyncset.done $0x0  }
0x7b: {  	[sflag:s31] =	ssyncadd.s32 $0xFFFFFFB0  }
0x7c: {  	_ =	swait.ge [sflag:s31], $0x50  }
0x7d: {  	[sflag:s31] =	ssyncset.done $0x0  }
0x7e: {  	[sflag:s31] =	ssyncadd.s32 $0xFFFFFFB0  }
0x7f: {  	[tilespmem:s0], [sflag:$0x5] =	stream.indirect.gather [hbm4b:s5+s29], $0x80, s25, s29, $0xb8;
	[tilespmem:$0x1BB00] =	vst v63  }
0x80: {  	_ =	swait.ge [sflag:s13], $0x2800  }
0x81: {  	p0 =	seq.s32 s17, $0x4B0;
	[sflag:s13] =	ssyncset.done $0x0  }
.Ltmp2:
0x82: {  	[sflag:s13] =	ssyncadd.s32 $0xFFFFD800;
	(pc) =	sbr.rel @p0 .LBB2_4-.Ltmp2, $4  }
0x83: {  	[spmem:s3] =	stream.indirect.scatter.add.f32 [tilespmem:s10], [sflag:$0x7], $0x80, s7, s29, $0xb8;
	[tilespmem:$0x1BB00] =	vst v63  }
0x84: {  	_ =	swait.ge [sflag:s23], $0x2800  }
0x85: {  	[sflag:s23] =	ssyncset.done $0x0  }
0x86: {  	[sflag:s23] =	ssyncadd.s32 $0xFFFFD800  }
.Ltmp3:
0x87: {  	(pc) =	sbr.rel .LBB2_2-.Ltmp3, $4  }
0x88: {  	s9 =	sadd.s32 s17, s19  }
0x89: {  	[tilespmem:s2], [sflag:$0x3] =	stream.linear.gather [hbm4b:s9+s4], $0x50, $0x38;
	[tilespmem:$0x1BB00] =	vst v63  }
0x8a: {  	s16 =	sadd.s32 s17, s18;
	s17 =	sadd.s32 $0x1E, s17;
	s22 =	sadd.s32 $0xF0, s22  }
0x8b: {  	[tilespmem:s7], [sflag:$0x3] =	stream.linear.gather [hbm4b:s16+s4], $0x50, $0x38;
	[tilespmem:$0x1BB00] =	vst v63  }
.LBB2_5:
0x8c: {  	_ =	sfence.sel $0x180000  }
0x8d: {  	[bflag:$0x0] =	sbarrier.arrive $0xFFFF  }
0x8e: {  	_ =	strace $0x90000047  }
0x8f: {  	s0 =	stileid.u32;
	[bflag:$0x2] =	sbarrier.arrive $0xFFFF  }
0x90: {  	p0 =	sne.s32 s0, $0x0;
	s0 =	rddreg [dreg:$0x3]  }
0x91: {  	s0 =	sadd.s32 @!p0 $0x100000, s0  }
0x92: {  	[sflag:s0] =	ssyncadd.tile.s32 @!p0 $0x1;
	_ =	shalt  }
.Lfunc_end2:
_tile_overlayer_lowered:
.L_overlay_start_2:
0x93: {  	(tag) =	ssettag $0x2  }
0x94: {  	s0 =	rddreg [dreg:$0x0];
	s2 =	stileid.u32  }
0x95: {  	s1 =	rddreg [dreg:$0x1];
	p0 =	sne.s32 s2, $0x0  }
0x96: {  	s3 =	rddreg [dreg:$0x2];
	[bflag:$0x3] =	sbarrier.arrive $0xFFFF;
	s2 =	simm.s32 @!p0 $0x1C07  }
0x97: {  	[timem:s3], [sflag:s2] =	dma.local @!p0 [hbm:s0], s1  }
0x98: {  	s0 =	simm.s32 @!p0 $0x7  }
0x99: {  	_ =	swait.ge @!p0 [sflag:s0], s1  }
0x9a: {  	s1 =	ssub.s32 @!p0 $0x0, s1;
	[sflag:s0] =	ssyncset.done @!p0 $0x0  }
0x9b: {  	[sflag:s0] =	ssyncadd.s32 @!p0 s1  }
0x9c: {  	[bflag:$0x3] =	sbarrier.arrive $0xFFFF  }
0x9d: {  	_ =	shalt  }

</sc_bundles>
